<compile_context>
chip_gen: v7x
topology: tpu7x:2x2x1
jax: 0.10.2.dev20260603
libtpu: 0.0.44.dev20260713+nightly
codegen_flags: <defaults>
</compile_context>

<pallas_src>
import functools

import jax
import jax.numpy as jnp
from jax import lax
from jax.experimental import pallas as pl
from jax.experimental.pallas import tpu as pltpu
from jax.experimental.pallas import tpu_sc as plsc

_E = 4
_TOPK = 2
_C = 96
_H = 64
_W = 64
_HW = _H * _W
_EPS = 1e-5
_D = 9 * _C
_GROWS = 2 * 8 * _C
_DP = 896


def _sc_gather_kernel(rows_per_w, num_cores, table_hbm, idx_hbm, out_hbm,
                      idx_v, rows_v, sem):
    wid = lax.axis_index("s") * num_cores + lax.axis_index("c")
    base = wid * rows_per_w
    pltpu.sync_copy(idx_hbm.at[pl.ds(base, rows_per_w)], idx_v)
    pltpu.async_copy(table_hbm.at[idx_v], rows_v, sem).wait()
    pltpu.sync_copy(rows_v, out_hbm.at[pl.ds(base, rows_per_w)])


def _moe_conv_kernel(idx_ref, wts_ref,
                     x_ref, w0_ref, w1_ref,
                     g_ref, be_ref, mu_ref, va_ref,
                     out_ref, xcol_ref):
    b = pl.program_id(0)
    xb = x_ref[0]

    n = lax.broadcasted_iota(jnp.int32, (1, _HW), 1)
    hpos = n >> 6
    wpos = n & (_W - 1)
    for t in range(9):
        oy = t // 3 - 1
        ox = t % 3 - 1
        off = oy * _W + ox
        xs = jnp.roll(xb, -off, axis=1) if off != 0 else xb
        mh = (hpos + oy >= 0) & (hpos + oy < _H)
        mw = (wpos + ox >= 0) & (wpos + ox < _W)
        mask = (mh & mw).astype(jnp.bfloat16)
        xcol_ref[t * _C:(t + 1) * _C, :] = xs * mask

    scale_all = g_ref[...] * lax.rsqrt(va_ref[...] + _EPS)
    bias_all = be_ref[...] - mu_ref[...] * scale_all
    erow = lax.broadcasted_iota(jnp.int32, (_E, 1), 0)

    xcol = xcol_ref[...]
    acc = jnp.zeros((_C, _HW), dtype=jnp.float32)
    for slot, w_ref in enumerate((w0_ref, w1_ref)):
        wsel = w_ref[0, 0, :, :_D].astype(jnp.bfloat16)
        y = lax.dot_general(wsel, xcol, (((1,), (0,)), ((), ())),
                            preferred_element_type=jnp.float32)
        onehot = (erow == idx_ref[b, slot]).astype(jnp.float32)
        dims = (((0,), (0,)), ((), ()))
        scale = lax.dot_general(scale_all, onehot, dims,
                                preferred_element_type=jnp.float32)
        bias = lax.dot_general(bias_all, onehot, dims,
                               preferred_element_type=jnp.float32)
        y = y * scale + bias
        y = y * jax.nn.sigmoid(y)
        acc = acc + wts_ref[b, slot] * y
    out_ref[0] = acc.astype(jnp.bfloat16)


def kernel(x, weights, indices, conv_w, bn_gamma, bn_beta, bn_mean, bn_var):
    B = x.shape[0]
    xf = x.reshape(B, _C, _HW).astype(jnp.bfloat16)
    wt = conv_w.transpose(0, 1, 3, 4, 2).reshape(_E * _C, _D)
    wt = jnp.pad(wt, ((0, 0), (0, _DP - _D)))
    idx = indices.astype(jnp.int32)
    wts = weights.astype(jnp.float32)

    gidx = (idx.reshape(B * _TOPK, 1) * _C
            + jnp.arange(_C, dtype=jnp.int32)[None, :]).reshape(_GROWS)
    info = plsc.get_sparse_core_info()
    nw = info.num_cores * info.num_subcores
    rows_per_w = _GROWS // nw
    mesh = plsc.VectorSubcoreMesh(core_axis_name="c", subcore_axis_name="s")
    sc_gather = pl.kernel(
        functools.partial(_sc_gather_kernel, rows_per_w, info.num_cores),
        mesh=mesh,
        out_type=jax.ShapeDtypeStruct((_GROWS, _DP), jnp.float32),
        scratch_types=[
            pltpu.VMEM((rows_per_w,), jnp.int32),
            pltpu.VMEM((rows_per_w, _DP), jnp.float32),
            pltpu.SemaphoreType.DMA,
        ],
    )
    wsel = sc_gather(wt, gidx).reshape(B, _TOPK, _C, _DP)

    grid_spec = pltpu.PrefetchScalarGridSpec(
        num_scalar_prefetch=2,
        grid=(B,),
        in_specs=[
            pl.BlockSpec((1, _C, _HW), lambda b, *_: (b, 0, 0)),
            pl.BlockSpec((1, 1, _C, _DP), lambda b, *_: (b, 0, 0, 0)),
            pl.BlockSpec((1, 1, _C, _DP), lambda b, *_: (b, 1, 0, 0)),
            pl.BlockSpec((_E, _C), lambda b, *_: (0, 0)),
            pl.BlockSpec((_E, _C), lambda b, *_: (0, 0)),
            pl.BlockSpec((_E, _C), lambda b, *_: (0, 0)),
            pl.BlockSpec((_E, _C), lambda b, *_: (0, 0)),
        ],
        out_specs=pl.BlockSpec((1, _C, _HW), lambda b, *_: (b, 0, 0)),
        scratch_shapes=[pltpu.VMEM((9 * _C, _HW), jnp.bfloat16)],
    )

    out = pl.pallas_call(
        _moe_conv_kernel,
        grid_spec=grid_spec,
        out_shape=jax.ShapeDtypeStruct((B, _C, _HW), jnp.bfloat16),
    )(idx, wts, xf, wsel, wsel, bn_gamma, bn_beta, bn_mean, bn_var)
    return out.reshape(B, _C, _H, _W).astype(jnp.float32)

# --- scband reference (transcript-rebuilt; emitter-appended) ---
"""Pipeline reference for scband-universal-mo-econtainer-38534446579730 (READ-ONLY COPY).

The authoritative reference and input builder live on the scoring server;
editing this copy changes nothing except your own understanding.
"""

import jax, jax.numpy as jnp
import numpy as np

E = 4
TOPK = 2
B = 8
C = 96
H = 64
W = 64
EPS = 1e-5


def setup_inputs(seed: int = 0) -> dict:
    key = jax.random.key(seed)
    k1, k2, k3, k4 = jax.random.split(key, 4)
    x = jax.random.normal(k1, (B, C, H, W), dtype=jnp.float32)
    weights = jax.random.uniform(k2, (B, TOPK), dtype=jnp.float32)
    indices = jax.random.randint(k3, (B, TOPK), 0, E)
    # Expert parameters: conv weight [E, C_out, C_in, 3, 3] and BatchNorm params/buffers (eval mode)
    conv_w = jax.random.normal(k4, (E, C, C, 3, 3), dtype=jnp.float32) * 0.05
    bn_gamma = jnp.ones((E, C), dtype=jnp.float32)
    bn_beta = jnp.zeros((E, C), dtype=jnp.float32)
    bn_mean = jnp.zeros((E, C), dtype=jnp.float32)
    bn_var = jnp.ones((E, C), dtype=jnp.float32)
    return {
        "x": x,
        "weights": weights,
        "indices": indices,
        "conv_w": conv_w,
        "bn_gamma": bn_gamma,
        "bn_beta": bn_beta,
        "bn_mean": bn_mean,
        "bn_var": bn_var,
    }


def _expert_apply(x, w, gamma, beta, rmean, rvar):
    # Conv2d(k=3, s=1, p=1, bias=False) -> BatchNorm2d (eval) -> SiLU
    y = jax.lax.conv_general_dilated(
        x, w, window_strides=(1, 1), padding=((1, 1), (1, 1)),
        dimension_numbers=("NCHW", "OIHW", "NCHW"))
    inv = gamma / jnp.sqrt(rvar + EPS)
    y = y * inv[None, :, None, None] + (beta - rmean * inv)[None, :, None, None]
    return y * jax.nn.sigmoid(y)


def reference(x, weights, indices, conv_w, bn_gamma, bn_beta, bn_mean, bn_var):
    # Faithful translation of the top_k > 1 branch:
    # out[mask] += expert_i(x[mask]) * w_k[mask]  ==  out += expert_i(x) * mask * w_k
    out = jnp.zeros_like(x)
    topk = weights.shape[1]
    for k in range(topk):
        idx_k = indices[:, k]
        w_k = weights[:, k]
        for i in range(E):
            mask = (idx_k == i).astype(x.dtype)
            y = _expert_apply(x, conv_w[i], bn_gamma[i], bn_beta[i], bn_mean[i], bn_var[i])
            out = out + y * (mask * w_k)[:, None, None, None]
    return out

if __name__ == "__main__":
    import jax
    _d = setup_inputs()
    print(jax.jit(kernel)(*tuple(_d.values())))

</pallas_src>

<mosaic_0001>
#map = affine_map<(d0, d1) -> (0, 0)>
#map1 = affine_map<(d0, d1) -> (0)>
module attributes {stable_mosaic.version = 14 : i64} {
  func.func @_sc_gather_kernel(%arg0: i32, %arg1: i32, %arg2: memref<384x896xf32, #tpu.memory_space<hbm>>, %arg3: memref<1536xi32, #tpu.memory_space<hbm>>, %arg4: memref<1536x896xf32, #tpu.memory_space<hbm>>, %arg5: memref<48xi32, #tpu.memory_space<vmem>>, %arg6: memref<48x896xf32, #tpu.memory_space<vmem>>, %arg7: memref<!tpu.dma_semaphore, #tpu.memory_space<semaphore_mem>>) attributes {dimension_semantics = [#tpu.dimension_semantics<core_parallel>, #tpu.dimension_semantics<subcore_parallel>], iteration_bounds = array<i64: 2, 16>, scalar_prefetch = 0 : i64, scratch_operands = 3 : i64, tpu.core_type = #tpu.core_type<sc_vector_subcore>, window_params = [{transform_indices = #map}, {transform_indices = #map1}, {transform_indices = #map}]} {
    %mul3A = arith.constant 2 : i32
    %mul3A_0 = arith.muli %arg1, %mul3A : i32
    %add3A = arith.addi %mul3A_0, %arg0 : i32
    %mul3A_1 = arith.constant 48 : i32
    %mul3A_2 = arith.muli %add3A, %mul3A_1 : i32
    "tpu.region"() ({
      %run_scoped3A = tpu.sem_alloc : memref<!tpu.dma_semaphore, #tpu.memory_space<semaphore_mem>>
      %dma_start3A_7 = tpu.memref_slice %arg3[%mul3A_2] : memref<1536xi32, #tpu.memory_space<hbm>> -> memref<48xi32, #tpu.memory_space<hbm>>
      %dma_start3A_8 = tpu.memref_slice %arg3[%mul3A_2] : memref<1536xi32, #tpu.memory_space<hbm>> -> memref<48xi32, #tpu.memory_space<hbm>>
      tpu.enqueue_dma source(%dma_start3A_8 : memref<48xi32, #tpu.memory_space<hbm>>) target(%arg5 : memref<48xi32, #tpu.memory_space<vmem>>) target_semaphore(%run_scoped3A : memref<!tpu.dma_semaphore, #tpu.memory_space<semaphore_mem>>)
      %dma_wait3A_9 = tpu.memref_slice %arg3[%mul3A_2] : memref<1536xi32, #tpu.memory_space<hbm>> -> memref<48xi32, #tpu.memory_space<hbm>>
      %dma_wait3A_10 = tpu.memref_slice %arg3[%mul3A_2] : memref<1536xi32, #tpu.memory_space<hbm>> -> memref<48xi32, #tpu.memory_space<hbm>>
      tpu.wait_dma2 semaphore(%run_scoped3A : memref<!tpu.dma_semaphore, #tpu.memory_space<semaphore_mem>>) src(%dma_wait3A_10 : memref<48xi32, #tpu.memory_space<hbm>>) dst(%arg5 : memref<48xi32, #tpu.memory_space<vmem>>)
      tpu.yield
    }) : () -> ()
    %dma_start3A = arith.constant 0 : i32
    %dma_start3A_3 = arith.constant 0 : i32
    %dma_start3A_4 = tpu.memref_slice %arg2[%dma_start3A, %dma_start3A_3] : memref<384x896xf32, #tpu.memory_space<hbm>> -> memref<384x896xf32, #tpu.memory_space<hbm>>
    tpu.enqueue_indirect_dma source(%dma_start3A_4 : memref<384x896xf32, #tpu.memory_space<hbm>>) target(%arg6 : memref<48x896xf32, #tpu.memory_space<vmem>>) offsets(%arg5 : memref<48xi32, #tpu.memory_space<vmem>>) semaphore(%arg7 : memref<!tpu.dma_semaphore, #tpu.memory_space<semaphore_mem>>)
    %dma_wait3A = arith.constant 0 : i32
    %dma_wait3A_5 = arith.constant 0 : i32
    %dma_wait3A_6 = tpu.memref_slice %arg2[%dma_wait3A, %dma_wait3A_5] : memref<384x896xf32, #tpu.memory_space<hbm>> -> memref<384x896xf32, #tpu.memory_space<hbm>>
    tpu.wait_indirect_dma semaphore(%arg7 : memref<!tpu.dma_semaphore, #tpu.memory_space<semaphore_mem>>) src(%dma_wait3A_6 : memref<384x896xf32, #tpu.memory_space<hbm>>) dst(%arg6 : memref<48x896xf32, #tpu.memory_space<vmem>>)
    "tpu.region"() ({
      %run_scoped3A = tpu.sem_alloc : memref<!tpu.dma_semaphore, #tpu.memory_space<semaphore_mem>>
      %dma_start3A_7 = arith.constant 0 : i32
      %dma_start3A_8 = tpu.memref_slice %arg4[%mul3A_2, %dma_start3A_7] : memref<1536x896xf32, #tpu.memory_space<hbm>> -> memref<48x896xf32, #tpu.memory_space<hbm>>
      %dma_start3A_9 = arith.constant 0 : i32
      %dma_start3A_10 = tpu.memref_slice %arg4[%mul3A_2, %dma_start3A_9] : memref<1536x896xf32, #tpu.memory_space<hbm>> -> memref<48x896xf32, #tpu.memory_space<hbm>>
      tpu.enqueue_dma source(%arg6 : memref<48x896xf32, #tpu.memory_space<vmem>>) target(%dma_start3A_10 : memref<48x896xf32, #tpu.memory_space<hbm>>) target_semaphore(%run_scoped3A : memref<!tpu.dma_semaphore, #tpu.memory_space<semaphore_mem>>)
      %dma_wait3A_11 = arith.constant 0 : i32
      %dma_wait3A_12 = tpu.memref_slice %arg4[%mul3A_2, %dma_wait3A_11] : memref<1536x896xf32, #tpu.memory_space<hbm>> -> memref<48x896xf32, #tpu.memory_space<hbm>>
      %dma_wait3A_13 = arith.constant 0 : i32
      %dma_wait3A_14 = tpu.memref_slice %arg4[%mul3A_2, %dma_wait3A_13] : memref<1536x896xf32, #tpu.memory_space<hbm>> -> memref<48x896xf32, #tpu.memory_space<hbm>>
      tpu.wait_dma2 semaphore(%run_scoped3A : memref<!tpu.dma_semaphore, #tpu.memory_space<semaphore_mem>>) src(%arg6 : memref<48x896xf32, #tpu.memory_space<vmem>>) dst(%dma_wait3A_14 : memref<48x896xf32, #tpu.memory_space<hbm>>)
      tpu.yield
    }) : () -> ()
    return
  }
}

module attributes {stable_mosaic.version = 14 : i64} {
  func.func @_moe_conv_kernel(%arg0: i32, %arg1: memref<8x2xi32, #tpu.memory_space<smem>>, %arg2: memref<8x2xf32, #tpu.memory_space<smem>>, %arg3: memref<1x96x4096xbf16, #tpu.memory_space<vmem>>, %arg4: memref<1x1x96x896xf32, #tpu.memory_space<vmem>>, %arg5: memref<1x1x96x896xf32, #tpu.memory_space<vmem>>, %arg6: memref<4x96xf32, #tpu.memory_space<vmem>>, %arg7: memref<4x96xf32, #tpu.memory_space<vmem>>, %arg8: memref<4x96xf32, #tpu.memory_space<vmem>>, %arg9: memref<4x96xf32, #tpu.memory_space<vmem>>, %arg10: memref<1x96x4096xbf16, #tpu.memory_space<vmem>>, %arg11: memref<864x4096xbf16, #tpu.memory_space<vmem>>) attributes {dimension_semantics = [#tpu.dimension_semantics<arbitrary>], iteration_bounds = array<i64: 8>, scalar_prefetch = 2 : i64, scratch_operands = 1 : i64, tpu.core_type = #tpu.core_type<tc>, window_params = [{transform_indices = @transform_0, window_bounds = array<i64: 1, 96, 4096>}, {transform_indices = @transform_1, window_bounds = array<i64: 1, 1, 96, 896>}, {transform_indices = @transform_2, window_bounds = array<i64: 1, 1, 96, 896>}, {pipeline_mode = #tpu.pipeline_mode<synchronous>, transform_indices = @transform_3, window_bounds = array<i64: 4, 96>}, {pipeline_mode = #tpu.pipeline_mode<synchronous>, transform_indices = @transform_4, window_bounds = array<i64: 4, 96>}, {pipeline_mode = #tpu.pipeline_mode<synchronous>, transform_indices = @transform_5, window_bounds = array<i64: 4, 96>}, {pipeline_mode = #tpu.pipeline_mode<synchronous>, transform_indices = @transform_6, window_bounds = array<i64: 4, 96>}, {transform_indices = @transform_7, window_bounds = array<i64: 1, 96, 4096>}]} {
    %get3A = arith.constant 0 : index
    %get3A_0 = arith.constant 0 : index
    %get3A_1 = arith.constant 0 : index
    %get3A_2 = vector.load %arg3[%get3A, %get3A_0, %get3A_1] : memref<1x96x4096xbf16, #tpu.memory_space<vmem>>, vector<1x96x4096xbf16>
    %get3A_3 = vector.shape_cast %get3A_2 : vector<1x96x4096xbf16> to vector<96x4096xbf16>
    %iota3A = tpu.iota {dimensions = array<i32: 1>} : vector<1x4096xi32>
    %shift_right_arithmetic3A = arith.constant 6 : i32
    %shift_right_arithmetic3A_4 = vector.broadcast %shift_right_arithmetic3A : i32 to vector<1x4096xi32>
    %shift_right_arithmetic3A_5 = arith.shrsi %iota3A, %shift_right_arithmetic3A_4 : vector<1x4096xi32>
    %and3A = arith.constant 63 : i32
    %and3A_6 = vector.broadcast %and3A : i32 to vector<1x4096xi32>
    %and3A_7 = arith.andi %iota3A, %and3A_6 : vector<1x4096xi32>
    %slice3A = vector.extract_strided_slice %get3A_3 {offsets = [0, 4031], sizes = [96, 65], strides = [1, 1]} : vector<96x4096xbf16> to vector<96x65xbf16>
    %slice3A_8 = vector.extract_strided_slice %get3A_3 {offsets = [0, 0], sizes = [96, 4031], strides = [1, 1]} : vector<96x4096xbf16> to vector<96x4031xbf16>
    %concatenate3A = tpu.concatenate %slice3A, %slice3A_8 in 1 : vector<96x65xbf16>, vector<96x4031xbf16> -> vector<96x4096xbf16>
    %add3A = arith.constant -1 : i32
    %add3A_9 = vector.broadcast %add3A : i32 to vector<1x4096xi32>
    %add3A_10 = arith.addi %shift_right_arithmetic3A_5, %add3A_9 : vector<1x4096xi32>
    %ge3A = arith.constant 0 : i32
    %ge3A_11 = vector.broadcast %ge3A : i32 to vector<1x4096xi32>
    %ge3A_12 = arith.cmpi sge, %add3A_10, %ge3A_11 : vector<1x4096xi32>
    %add3A_13 = arith.constant -1 : i32
    %add3A_14 = vector.broadcast %add3A_13 : i32 to vector<1x4096xi32>
    %add3A_15 = arith.addi %shift_right_arithmetic3A_5, %add3A_14 : vector<1x4096xi32>
    %lt3A = arith.constant 64 : i32
    %lt3A_16 = vector.broadcast %lt3A : i32 to vector<1x4096xi32>
    %lt3A_17 = arith.cmpi slt, %add3A_15, %lt3A_16 : vector<1x4096xi32>
    %and3A_18 = arith.andi %ge3A_12, %lt3A_17 : vector<1x4096xi1>
    %add3A_19 = arith.constant -1 : i32
    %add3A_20 = vector.broadcast %add3A_19 : i32 to vector<1x4096xi32>
    %add3A_21 = arith.addi %and3A_7, %add3A_20 : vector<1x4096xi32>
    %ge3A_22 = arith.constant 0 : i32
    %ge3A_23 = vector.broadcast %ge3A_22 : i32 to vector<1x4096xi32>
    %ge3A_24 = arith.cmpi sge, %add3A_21, %ge3A_23 : vector<1x4096xi32>
    %add3A_25 = arith.constant -1 : i32
    %add3A_26 = vector.broadcast %add3A_25 : i32 to vector<1x4096xi32>
    %add3A_27 = arith.addi %and3A_7, %add3A_26 : vector<1x4096xi32>
    %lt3A_28 = arith.constant 64 : i32
    %lt3A_29 = vector.broadcast %lt3A_28 : i32 to vector<1x4096xi32>
    %lt3A_30 = arith.cmpi slt, %add3A_27, %lt3A_29 : vector<1x4096xi32>
    %and3A_31 = arith.andi %ge3A_24, %lt3A_30 : vector<1x4096xi1>
    %and3A_32 = arith.andi %and3A_18, %and3A_31 : vector<1x4096xi1>
    %convert_element_type3A = arith.extui %and3A_32 : vector<1x4096xi1> to vector<1x4096xi32>
    %convert_element_type3A_33 = arith.sitofp %convert_element_type3A : vector<1x4096xi32> to vector<1x4096xf32>
    %convert_element_type3A_34 = arith.truncf %convert_element_type3A_33 : vector<1x4096xf32> to vector<1x4096xbf16>
    %mul3A = vector.broadcast %convert_element_type3A_34 : vector<1x4096xbf16> to vector<96x4096xbf16>
    %mul3A_35 = arith.mulf %concatenate3A, %mul3A : vector<96x4096xbf16>
    %swap3A = arith.constant 0 : index
    %swap3A_36 = arith.constant 0 : index
    %swap3A_37 = vector.load %arg11[%swap3A, %swap3A_36] : memref<864x4096xbf16, #tpu.memory_space<vmem>>, vector<96x4096xbf16>
    tpu.vector_store %arg11[%swap3A, %swap3A_36], %mul3A_35 {strides = array<i32>} : memref<864x4096xbf16, #tpu.memory_space<vmem>>, vector<96x4096xbf16>,
    %slice3A_38 = vector.extract_strided_slice %get3A_3 {offsets = [0, 4032], sizes = [96, 64], strides = [1, 1]} : vector<96x4096xbf16> to vector<96x64xbf16>
    %slice3A_39 = vector.extract_strided_slice %get3A_3 {offsets = [0, 0], sizes = [96, 4032], strides = [1, 1]} : vector<96x4096xbf16> to vector<96x4032xbf16>
    %concatenate3A_40 = tpu.concatenate %slice3A_38, %slice3A_39 in 1 : vector<96x64xbf16>, vector<96x4032xbf16> -> vector<96x4096xbf16>
    %add3A_41 = arith.constant -1 : i32
    %add3A_42 = vector.broadcast %add3A_41 : i32 to vector<1x4096xi32>
    %add3A_43 = arith.addi %shift_right_arithmetic3A_5, %add3A_42 : vector<1x4096xi32>
    %ge3A_44 = arith.constant 0 : i32
    %ge3A_45 = vector.broadcast %ge3A_44 : i32 to vector<1x4096xi32>
    %ge3A_46 = arith.cmpi sge, %add3A_43, %ge3A_45 : vector<1x4096xi32>
    %add3A_47 = arith.constant -1 : i32
    %add3A_48 = vector.broadcast %add3A_47 : i32 to vector<1x4096xi32>
    %add3A_49 = arith.addi %shift_right_arithmetic3A_5, %add3A_48 : vector<1x4096xi32>
    %lt3A_50 = arith.constant 64 : i32
    %lt3A_51 = vector.broadcast %lt3A_50 : i32 to vector<1x4096xi32>
    %lt3A_52 = arith.cmpi slt, %add3A_49, %lt3A_51 : vector<1x4096xi32>
    %and3A_53 = arith.andi %ge3A_46, %lt3A_52 : vector<1x4096xi1>
    %add3A_54 = arith.constant 0 : i32
    %add3A_55 = vector.broadcast %add3A_54 : i32 to vector<1x4096xi32>
    %add3A_56 = arith.addi %and3A_7, %add3A_55 : vector<1x4096xi32>
    %ge3A_57 = arith.constant 0 : i32
    %ge3A_58 = vector.broadcast %ge3A_57 : i32 to vector<1x4096xi32>
    %ge3A_59 = arith.cmpi sge, %add3A_56, %ge3A_58 : vector<1x4096xi32>
    %add3A_60 = arith.constant 0 : i32
    %add3A_61 = vector.broadcast %add3A_60 : i32 to vector<1x4096xi32>
    %add3A_62 = arith.addi %and3A_7, %add3A_61 : vector<1x4096xi32>
    %lt3A_63 = arith.constant 64 : i32
    %lt3A_64 = vector.broadcast %lt3A_63 : i32 to vector<1x4096xi32>
    %lt3A_65 = arith.cmpi slt, %add3A_62, %lt3A_64 : vector<1x4096xi32>
    %and3A_66 = arith.andi %ge3A_59, %lt3A_65 : vector<1x4096xi1>
    %and3A_67 = arith.andi %and3A_53, %and3A_66 : vector<1x4096xi1>
    %convert_element_type3A_68 = arith.extui %and3A_67 : vector<1x4096xi1> to vector<1x4096xi32>
    %convert_element_type3A_69 = arith.sitofp %convert_element_type3A_68 : vector<1x4096xi32> to vector<1x4096xf32>
    %convert_element_type3A_70 = arith.truncf %convert_element_type3A_69 : vector<1x4096xf32> to vector<1x4096xbf16>
    %mul3A_71 = vector.broadcast %convert_element_type3A_70 : vector<1x4096xbf16> to vector<96x4096xbf16>
    %mul3A_72 = arith.mulf %concatenate3A_40, %mul3A_71 : vector<96x4096xbf16>
    %swap3A_73 = arith.constant 96 : index
    %swap3A_74 = arith.constant 0 : index
    %swap3A_75 = vector.load %arg11[%swap3A_73, %swap3A_74] : memref<864x4096xbf16, #tpu.memory_space<vmem>>, vector<96x4096xbf16>
    tpu.vector_store %arg11[%swap3A_73, %swap3A_74], %mul3A_72 {strides = array<i32>} : memref<864x4096xbf16, #tpu.memory_space<vmem>>, vector<96x4096xbf16>,
    %slice3A_76 = vector.extract_strided_slice %get3A_3 {offsets = [0, 4033], sizes = [96, 63], strides = [1, 1]} : vector<96x4096xbf16> to vector<96x63xbf16>
    %slice3A_77 = vector.extract_strided_slice %get3A_3 {offsets = [0, 0], sizes = [96, 4033], strides = [1, 1]} : vector<96x4096xbf16> to vector<96x4033xbf16>
    %concatenate3A_78 = tpu.concatenate %slice3A_76, %slice3A_77 in 1 : vector<96x63xbf16>, vector<96x4033xbf16> -> vector<96x4096xbf16>
    %add3A_79 = arith.constant -1 : i32
    %add3A_80 = vector.broadcast %add3A_79 : i32 to vector<1x4096xi32>
    %add3A_81 = arith.addi %shift_right_arithmetic3A_5, %add3A_80 : vector<1x4096xi32>
    %ge3A_82 = arith.constant 0 : i32
    %ge3A_83 = vector.broadcast %ge3A_82 : i32 to vector<1x4096xi32>
    %ge3A_84 = arith.cmpi sge, %add3A_81, %ge3A_83 : vector<1x4096xi32>
    %add3A_85 = arith.constant -1 : i32
    %add3A_86 = vector.broadcast %add3A_85 : i32 to vector<1x4096xi32>
    %add3A_87 = arith.addi %shift_right_arithmetic3A_5, %add3A_86 : vector<1x4096xi32>
    %lt3A_88 = arith.constant 64 : i32
    %lt3A_89 = vector.broadcast %lt3A_88 : i32 to vector<1x4096xi32>
    %lt3A_90 = arith.cmpi slt, %add3A_87, %lt3A_89 : vector<1x4096xi32>
    %and3A_91 = arith.andi %ge3A_84, %lt3A_90 : vector<1x4096xi1>
    %add3A_92 = arith.constant 1 : i32
    %add3A_93 = vector.broadcast %add3A_92 : i32 to vector<1x4096xi32>
    %add3A_94 = arith.addi %and3A_7, %add3A_93 : vector<1x4096xi32>
    %ge3A_95 = arith.constant 0 : i32
    %ge3A_96 = vector.broadcast %ge3A_95 : i32 to vector<1x4096xi32>
    %ge3A_97 = arith.cmpi sge, %add3A_94, %ge3A_96 : vector<1x4096xi32>
    %add3A_98 = arith.constant 1 : i32
    %add3A_99 = vector.broadcast %add3A_98 : i32 to vector<1x4096xi32>
    %add3A_100 = arith.addi %and3A_7, %add3A_99 : vector<1x4096xi32>
    %lt3A_101 = arith.constant 64 : i32
    %lt3A_102 = vector.broadcast %lt3A_101 : i32 to vector<1x4096xi32>
    %lt3A_103 = arith.cmpi slt, %add3A_100, %lt3A_102 : vector<1x4096xi32>
    %and3A_104 = arith.andi %ge3A_97, %lt3A_103 : vector<1x4096xi1>
    %and3A_105 = arith.andi %and3A_91, %and3A_104 : vector<1x4096xi1>
    %convert_element_type3A_106 = arith.extui %and3A_105 : vector<1x4096xi1> to vector<1x4096xi32>
    %convert_element_type3A_107 = arith.sitofp %convert_element_type3A_106 : vector<1x4096xi32> to vector<1x4096xf32>
    %convert_element_type3A_108 = arith.truncf %convert_element_type3A_107 : vector<1x4096xf32> to vector<1x4096xbf16>
    %mul3A_109 = vector.broadcast %convert_element_type3A_108 : vector<1x4096xbf16> to vector<96x4096xbf16>
    %mul3A_110 = arith.mulf %concatenate3A_78, %mul3A_109 : vector<96x4096xbf16>
    %swap3A_111 = arith.constant 192 : index
    %swap3A_112 = arith.constant 0 : index
    %swap3A_113 = vector.load %arg11[%swap3A_111, %swap3A_112] : memref<864x4096xbf16, #tpu.memory_space<vmem>>, vector<96x4096xbf16>
    tpu.vector_store %arg11[%swap3A_111, %swap3A_112], %mul3A_110 {strides = array<i32>} : memref<864x4096xbf16, #tpu.memory_space<vmem>>, vector<96x4096xbf16>,
    %slice3A_114 = vector.extract_strided_slice %get3A_3 {offsets = [0, 4095], sizes = [96, 1], strides = [1, 1]} : vector<96x4096xbf16> to vector<96x1xbf16>
    %slice3A_115 = vector.extract_strided_slice %get3A_3 {offsets = [0, 0], sizes = [96, 4095], strides = [1, 1]} : vector<96x4096xbf16> to vector<96x4095xbf16>
    %concatenate3A_116 = tpu.concatenate %slice3A_114, %slice3A_115 in 1 : vector<96x1xbf16>, vector<96x4095xbf16> -> vector<96x4096xbf16>
    %add3A_117 = arith.constant 0 : i32
    %add3A_118 = vector.broadcast %add3A_117 : i32 to vector<1x4096xi32>
    %add3A_119 = arith.addi %shift_right_arithmetic3A_5, %add3A_118 : vector<1x4096xi32>
    %ge3A_120 = arith.constant 0 : i32
    %ge3A_121 = vector.broadcast %ge3A_120 : i32 to vector<1x4096xi32>
    %ge3A_122 = arith.cmpi sge, %add3A_119, %ge3A_121 : vector<1x4096xi32>
    %add3A_123 = arith.constant 0 : i32
    %add3A_124 = vector.broadcast %add3A_123 : i32 to vector<1x4096xi32>
    %add3A_125 = arith.addi %shift_right_arithmetic3A_5, %add3A_124 : vector<1x4096xi32>
    %lt3A_126 = arith.constant 64 : i32
    %lt3A_127 = vector.broadcast %lt3A_126 : i32 to vector<1x4096xi32>
    %lt3A_128 = arith.cmpi slt, %add3A_125, %lt3A_127 : vector<1x4096xi32>
    %and3A_129 = arith.andi %ge3A_122, %lt3A_128 : vector<1x4096xi1>
    %add3A_130 = arith.constant -1 : i32
    %add3A_131 = vector.broadcast %add3A_130 : i32 to vector<1x4096xi32>
    %add3A_132 = arith.addi %and3A_7, %add3A_131 : vector<1x4096xi32>
    %ge3A_133 = arith.constant 0 : i32
    %ge3A_134 = vector.broadcast %ge3A_133 : i32 to vector<1x4096xi32>
    %ge3A_135 = arith.cmpi sge, %add3A_132, %ge3A_134 : vector<1x4096xi32>
    %add3A_136 = arith.constant -1 : i32
    %add3A_137 = vector.broadcast %add3A_136 : i32 to vector<1x4096xi32>
    %add3A_138 = arith.addi %and3A_7, %add3A_137 : vector<1x4096xi32>
    %lt3A_139 = arith.constant 64 : i32
    %lt3A_140 = vector.broadcast %lt3A_139 : i32 to vector<1x4096xi32>
    %lt3A_141 = arith.cmpi slt, %add3A_138, %lt3A_140 : vector<1x4096xi32>
    %and3A_142 = arith.andi %ge3A_135, %lt3A_141 : vector<1x4096xi1>
    %and3A_143 = arith.andi %and3A_129, %and3A_142 : vector<1x4096xi1>
    %convert_element_type3A_144 = arith.extui %and3A_143 : vector<1x4096xi1> to vector<1x4096xi32>
    %convert_element_type3A_145 = arith.sitofp %convert_element_type3A_144 : vector<1x4096xi32> to vector<1x4096xf32>
    %convert_element_type3A_146 = arith.truncf %convert_element_type3A_145 : vector<1x4096xf32> to vector<1x4096xbf16>
    %mul3A_147 = vector.broadcast %convert_element_type3A_146 : vector<1x4096xbf16> to vector<96x4096xbf16>
    %mul3A_148 = arith.mulf %concatenate3A_116, %mul3A_147 : vector<96x4096xbf16>
    %swap3A_149 = arith.constant 288 : index
    %swap3A_150 = arith.constant 0 : index
    %swap3A_151 = vector.load %arg11[%swap3A_149, %swap3A_150] : memref<864x4096xbf16, #tpu.memory_space<vmem>>, vector<96x4096xbf16>
    tpu.vector_store %arg11[%swap3A_149, %swap3A_150], %mul3A_148 {strides = array<i32>} : memref<864x4096xbf16, #tpu.memory_space<vmem>>, vector<96x4096xbf16>,
    %add3A_152 = arith.constant 0 : i32
    %add3A_153 = vector.broadcast %add3A_152 : i32 to vector<1x4096xi32>
    %add3A_154 = arith.addi %shift_right_arithmetic3A_5, %add3A_153 : vector<1x4096xi32>
    %ge3A_155 = arith.constant 0 : i32
    %ge3A_156 = vector.broadcast %ge3A_155 : i32 to vector<1x4096xi32>
    %ge3A_157 = arith.cmpi sge, %add3A_154, %ge3A_156 : vector<1x4096xi32>
    %add3A_158 = arith.constant 0 : i32
    %add3A_159 = vector.broadcast %add3A_158 : i32 to vector<1x4096xi32>
    %add3A_160 = arith.addi %shift_right_arithmetic3A_5, %add3A_159 : vector<1x4096xi32>
    %lt3A_161 = arith.constant 64 : i32
    %lt3A_162 = vector.broadcast %lt3A_161 : i32 to vector<1x4096xi32>
    %lt3A_163 = arith.cmpi slt, %add3A_160, %lt3A_162 : vector<1x4096xi32>
    %and3A_164 = arith.andi %ge3A_157, %lt3A_163 : vector<1x4096xi1>
    %add3A_165 = arith.constant 0 : i32
    %add3A_166 = vector.broadcast %add3A_165 : i32 to vector<1x4096xi32>
    %add3A_167 = arith.addi %and3A_7, %add3A_166 : vector<1x4096xi32>
    %ge3A_168 = arith.constant 0 : i32
    %ge3A_169 = vector.broadcast %ge3A_168 : i32 to vector<1x4096xi32>
    %ge3A_170 = arith.cmpi sge, %add3A_167, %ge3A_169 : vector<1x4096xi32>
    %add3A_171 = arith.constant 0 : i32
    %add3A_172 = vector.broadcast %add3A_171 : i32 to vector<1x4096xi32>
    %add3A_173 = arith.addi %and3A_7, %add3A_172 : vector<1x4096xi32>
    %lt3A_174 = arith.constant 64 : i32
    %lt3A_175 = vector.broadcast %lt3A_174 : i32 to vector<1x4096xi32>
    %lt3A_176 = arith.cmpi slt, %add3A_173, %lt3A_175 : vector<1x4096xi32>
    %and3A_177 = arith.andi %ge3A_170, %lt3A_176 : vector<1x4096xi1>
    %and3A_178 = arith.andi %and3A_164, %and3A_177 : vector<1x4096xi1>
    %convert_element_type3A_179 = arith.extui %and3A_178 : vector<1x4096xi1> to vector<1x4096xi32>
    %convert_element_type3A_180 = arith.sitofp %convert_element_type3A_179 : vector<1x4096xi32> to vector<1x4096xf32>
    %convert_element_type3A_181 = arith.truncf %convert_element_type3A_180 : vector<1x4096xf32> to vector<1x4096xbf16>
    %mul3A_182 = vector.broadcast %convert_element_type3A_181 : vector<1x4096xbf16> to vector<96x4096xbf16>
    %mul3A_183 = arith.mulf %get3A_3, %mul3A_182 : vector<96x4096xbf16>
    %swap3A_184 = arith.constant 384 : index
    %swap3A_185 = arith.constant 0 : index
    %swap3A_186 = vector.load %arg11[%swap3A_184, %swap3A_185] : memref<864x4096xbf16, #tpu.memory_space<vmem>>, vector<96x4096xbf16>
    tpu.vector_store %arg11[%swap3A_184, %swap3A_185], %mul3A_183 {strides = array<i32>} : memref<864x4096xbf16, #tpu.memory_space<vmem>>, vector<96x4096xbf16>,
    %slice3A_187 = vector.extract_strided_slice %get3A_3 {offsets = [0, 1], sizes = [96, 4095], strides = [1, 1]} : vector<96x4096xbf16> to vector<96x4095xbf16>
    %slice3A_188 = vector.extract_strided_slice %get3A_3 {offsets = [0, 0], sizes = [96, 1], strides = [1, 1]} : vector<96x4096xbf16> to vector<96x1xbf16>
    %concatenate3A_189 = tpu.concatenate %slice3A_187, %slice3A_188 in 1 : vector<96x4095xbf16>, vector<96x1xbf16> -> vector<96x4096xbf16>
    %add3A_190 = arith.constant 0 : i32
    %add3A_191 = vector.broadcast %add3A_190 : i32 to vector<1x4096xi32>
    %add3A_192 = arith.addi %shift_right_arithmetic3A_5, %add3A_191 : vector<1x4096xi32>
    %ge3A_193 = arith.constant 0 : i32
    %ge3A_194 = vector.broadcast %ge3A_193 : i32 to vector<1x4096xi32>
    %ge3A_195 = arith.cmpi sge, %add3A_192, %ge3A_194 : vector<1x4096xi32>
    %add3A_196 = arith.constant 0 : i32
    %add3A_197 = vector.broadcast %add3A_196 : i32 to vector<1x4096xi32>
    %add3A_198 = arith.addi %shift_right_arithmetic3A_5, %add3A_197 : vector<1x4096xi32>
    %lt3A_199 = arith.constant 64 : i32
    %lt3A_200 = vector.broadcast %lt3A_199 : i32 to vector<1x4096xi32>
    %lt3A_201 = arith.cmpi slt, %add3A_198, %lt3A_200 : vector<1x4096xi32>
    %and3A_202 = arith.andi %ge3A_195, %lt3A_201 : vector<1x4096xi1>
    %add3A_203 = arith.constant 1 : i32
    %add3A_204 = vector.broadcast %add3A_203 : i32 to vector<1x4096xi32>
    %add3A_205 = arith.addi %and3A_7, %add3A_204 : vector<1x4096xi32>
    %ge3A_206 = arith.constant 0 : i32
    %ge3A_207 = vector.broadcast %ge3A_206 : i32 to vector<1x4096xi32>
    %ge3A_208 = arith.cmpi sge, %add3A_205, %ge3A_207 : vector<1x4096xi32>
    %add3A_209 = arith.constant 1 : i32
    %add3A_210 = vector.broadcast %add3A_209 : i32 to vector<1x4096xi32>
    %add3A_211 = arith.addi %and3A_7, %add3A_210 : vector<1x4096xi32>
    %lt3A_212 = arith.constant 64 : i32
    %lt3A_213 = vector.broadcast %lt3A_212 : i32 to vector<1x4096xi32>
    %lt3A_214 = arith.cmpi slt, %add3A_211, %lt3A_213 : vector<1x4096xi32>
    %and3A_215 = arith.andi %ge3A_208, %lt3A_214 : vector<1x4096xi1>
    %and3A_216 = arith.andi %and3A_202, %and3A_215 : vector<1x4096xi1>
    %convert_element_type3A_217 = arith.extui %and3A_216 : vector<1x4096xi1> to vector<1x4096xi32>
    %convert_element_type3A_218 = arith.sitofp %convert_element_type3A_217 : vector<1x4096xi32> to vector<1x4096xf32>
    %convert_element_type3A_219 = arith.truncf %convert_element_type3A_218 : vector<1x4096xf32> to vector<1x4096xbf16>
    %mul3A_220 = vector.broadcast %convert_element_type3A_219 : vector<1x4096xbf16> to vector<96x4096xbf16>
    %mul3A_221 = arith.mulf %concatenate3A_189, %mul3A_220 : vector<96x4096xbf16>
    %swap3A_222 = arith.constant 480 : index
    %swap3A_223 = arith.constant 0 : index
    %swap3A_224 = vector.load %arg11[%swap3A_222, %swap3A_223] : memref<864x4096xbf16, #tpu.memory_space<vmem>>, vector<96x4096xbf16>
    tpu.vector_store %arg11[%swap3A_222, %swap3A_223], %mul3A_221 {strides = array<i32>} : memref<864x4096xbf16, #tpu.memory_space<vmem>>, vector<96x4096xbf16>,
    %slice3A_225 = vector.extract_strided_slice %get3A_3 {offsets = [0, 63], sizes = [96, 4033], strides = [1, 1]} : vector<96x4096xbf16> to vector<96x4033xbf16>
    %slice3A_226 = vector.extract_strided_slice %get3A_3 {offsets = [0, 0], sizes = [96, 63], strides = [1, 1]} : vector<96x4096xbf16> to vector<96x63xbf16>
    %concatenate3A_227 = tpu.concatenate %slice3A_225, %slice3A_226 in 1 : vector<96x4033xbf16>, vector<96x63xbf16> -> vector<96x4096xbf16>
    %add3A_228 = arith.constant 1 : i32
    %add3A_229 = vector.broadcast %add3A_228 : i32 to vector<1x4096xi32>
    %add3A_230 = arith.addi %shift_right_arithmetic3A_5, %add3A_229 : vector<1x4096xi32>
    %ge3A_231 = arith.constant 0 : i32
    %ge3A_232 = vector.broadcast %ge3A_231 : i32 to vector<1x4096xi32>
    %ge3A_233 = arith.cmpi sge, %add3A_230, %ge3A_232 : vector<1x4096xi32>
    %add3A_234 = arith.constant 1 : i32
    %add3A_235 = vector.broadcast %add3A_234 : i32 to vector<1x4096xi32>
    %add3A_236 = arith.addi %shift_right_arithmetic3A_5, %add3A_235 : vector<1x4096xi32>
    %lt3A_237 = arith.constant 64 : i32
    %lt3A_238 = vector.broadcast %lt3A_237 : i32 to vector<1x4096xi32>
    %lt3A_239 = arith.cmpi slt, %add3A_236, %lt3A_238 : vector<1x4096xi32>
    %and3A_240 = arith.andi %ge3A_233, %lt3A_239 : vector<1x4096xi1>
    %add3A_241 = arith.constant -1 : i32
    %add3A_242 = vector.broadcast %add3A_241 : i32 to vector<1x4096xi32>
    %add3A_243 = arith.addi %and3A_7, %add3A_242 : vector<1x4096xi32>
    %ge3A_244 = arith.constant 0 : i32
    %ge3A_245 = vector.broadcast %ge3A_244 : i32 to vector<1x4096xi32>
    %ge3A_246 = arith.cmpi sge, %add3A_243, %ge3A_245 : vector<1x4096xi32>
    %add3A_247 = arith.constant -1 : i32
    %add3A_248 = vector.broadcast %add3A_247 : i32 to vector<1x4096xi32>
    %add3A_249 = arith.addi %and3A_7, %add3A_248 : vector<1x4096xi32>
    %lt3A_250 = arith.constant 64 : i32
    %lt3A_251 = vector.broadcast %lt3A_250 : i32 to vector<1x4096xi32>
    %lt3A_252 = arith.cmpi slt, %add3A_249, %lt3A_251 : vector<1x4096xi32>
    %and3A_253 = arith.andi %ge3A_246, %lt3A_252 : vector<1x4096xi1>
    %and3A_254 = arith.andi %and3A_240, %and3A_253 : vector<1x4096xi1>
    %convert_element_type3A_255 = arith.extui %and3A_254 : vector<1x4096xi1> to vector<1x4096xi32>
    %convert_element_type3A_256 = arith.sitofp %convert_element_type3A_255 : vector<1x4096xi32> to vector<1x4096xf32>
    %convert_element_type3A_257 = arith.truncf %convert_element_type3A_256 : vector<1x4096xf32> to vector<1x4096xbf16>
    %mul3A_258 = vector.broadcast %convert_element_type3A_257 : vector<1x4096xbf16> to vector<96x4096xbf16>
    %mul3A_259 = arith.mulf %concatenate3A_227, %mul3A_258 : vector<96x4096xbf16>
    %swap3A_260 = arith.constant 576 : index
    %swap3A_261 = arith.constant 0 : index
    %swap3A_262 = vector.load %arg11[%swap3A_260, %swap3A_261] : memref<864x4096xbf16, #tpu.memory_space<vmem>>, vector<96x4096xbf16>
    tpu.vector_store %arg11[%swap3A_260, %swap3A_261], %mul3A_259 {strides = array<i32>} : memref<864x4096xbf16, #tpu.memory_space<vmem>>, vector<96x4096xbf16>,
    %slice3A_263 = vector.extract_strided_slice %get3A_3 {offsets = [0, 64], sizes = [96, 4032], strides = [1, 1]} : vector<96x4096xbf16> to vector<96x4032xbf16>
    %slice3A_264 = vector.extract_strided_slice %get3A_3 {offsets = [0, 0], sizes = [96, 64], strides = [1, 1]} : vector<96x4096xbf16> to vector<96x64xbf16>
    %concatenate3A_265 = tpu.concatenate %slice3A_263, %slice3A_264 in 1 : vector<96x4032xbf16>, vector<96x64xbf16> -> vector<96x4096xbf16>
    %add3A_266 = arith.constant 1 : i32
    %add3A_267 = vector.broadcast %add3A_266 : i32 to vector<1x4096xi32>
    %add3A_268 = arith.addi %shift_right_arithmetic3A_5, %add3A_267 : vector<1x4096xi32>
    %ge3A_269 = arith.constant 0 : i32
    %ge3A_270 = vector.broadcast %ge3A_269 : i32 to vector<1x4096xi32>
    %ge3A_271 = arith.cmpi sge, %add3A_268, %ge3A_270 : vector<1x4096xi32>
    %add3A_272 = arith.constant 1 : i32
    %add3A_273 = vector.broadcast %add3A_272 : i32 to vector<1x4096xi32>
    %add3A_274 = arith.addi %shift_right_arithmetic3A_5, %add3A_273 : vector<1x4096xi32>
    %lt3A_275 = arith.constant 64 : i32
    %lt3A_276 = vector.broadcast %lt3A_275 : i32 to vector<1x4096xi32>
    %lt3A_277 = arith.cmpi slt, %add3A_274, %lt3A_276 : vector<1x4096xi32>
    %and3A_278 = arith.andi %ge3A_271, %lt3A_277 : vector<1x4096xi1>
    %add3A_279 = arith.constant 0 : i32
    %add3A_280 = vector.broadcast %add3A_279 : i32 to vector<1x4096xi32>
    %add3A_281 = arith.addi %and3A_7, %add3A_280 : vector<1x4096xi32>
    %ge3A_282 = arith.constant 0 : i32
    %ge3A_283 = vector.broadcast %ge3A_282 : i32 to vector<1x4096xi32>
    %ge3A_284 = arith.cmpi sge, %add3A_281, %ge3A_283 : vector<1x4096xi32>
    %add3A_285 = arith.constant 0 : i32
    %add3A_286 = vector.broadcast %add3A_285 : i32 to vector<1x4096xi32>
    %add3A_287 = arith.addi %and3A_7, %add3A_286 : vector<1x4096xi32>
    %lt3A_288 = arith.constant 64 : i32
    %lt3A_289 = vector.broadcast %lt3A_288 : i32 to vector<1x4096xi32>
    %lt3A_290 = arith.cmpi slt, %add3A_287, %lt3A_289 : vector<1x4096xi32>
    %and3A_291 = arith.andi %ge3A_284, %lt3A_290 : vector<1x4096xi1>
    %and3A_292 = arith.andi %and3A_278, %and3A_291 : vector<1x4096xi1>
    %convert_element_type3A_293 = arith.extui %and3A_292 : vector<1x4096xi1> to vector<1x4096xi32>
    %convert_element_type3A_294 = arith.sitofp %convert_element_type3A_293 : vector<1x4096xi32> to vector<1x4096xf32>
    %convert_element_type3A_295 = arith.truncf %convert_element_type3A_294 : vector<1x4096xf32> to vector<1x4096xbf16>
    %mul3A_296 = vector.broadcast %convert_element_type3A_295 : vector<1x4096xbf16> to vector<96x4096xbf16>
    %mul3A_297 = arith.mulf %concatenate3A_265, %mul3A_296 : vector<96x4096xbf16>
    %swap3A_298 = arith.constant 672 : index
    %swap3A_299 = arith.constant 0 : index
    %swap3A_300 = vector.load %arg11[%swap3A_298, %swap3A_299] : memref<864x4096xbf16, #tpu.memory_space<vmem>>, vector<96x4096xbf16>
    tpu.vector_store %arg11[%swap3A_298, %swap3A_299], %mul3A_297 {strides = array<i32>} : memref<864x4096xbf16, #tpu.memory_space<vmem>>, vector<96x4096xbf16>,
    %slice3A_301 = vector.extract_strided_slice %get3A_3 {offsets = [0, 65], sizes = [96, 4031], strides = [1, 1]} : vector<96x4096xbf16> to vector<96x4031xbf16>
    %slice3A_302 = vector.extract_strided_slice %get3A_3 {offsets = [0, 0], sizes = [96, 65], strides = [1, 1]} : vector<96x4096xbf16> to vector<96x65xbf16>
    %concatenate3A_303 = tpu.concatenate %slice3A_301, %slice3A_302 in 1 : vector<96x4031xbf16>, vector<96x65xbf16> -> vector<96x4096xbf16>
    %add3A_304 = arith.constant 1 : i32
    %add3A_305 = vector.broadcast %add3A_304 : i32 to vector<1x4096xi32>
    %add3A_306 = arith.addi %shift_right_arithmetic3A_5, %add3A_305 : vector<1x4096xi32>
    %ge3A_307 = arith.constant 0 : i32
    %ge3A_308 = vector.broadcast %ge3A_307 : i32 to vector<1x4096xi32>
    %ge3A_309 = arith.cmpi sge, %add3A_306, %ge3A_308 : vector<1x4096xi32>
    %add3A_310 = arith.constant 1 : i32
    %add3A_311 = vector.broadcast %add3A_310 : i32 to vector<1x4096xi32>
    %add3A_312 = arith.addi %shift_right_arithmetic3A_5, %add3A_311 : vector<1x4096xi32>
    %lt3A_313 = arith.constant 64 : i32
    %lt3A_314 = vector.broadcast %lt3A_313 : i32 to vector<1x4096xi32>
    %lt3A_315 = arith.cmpi slt, %add3A_312, %lt3A_314 : vector<1x4096xi32>
    %and3A_316 = arith.andi %ge3A_309, %lt3A_315 : vector<1x4096xi1>
    %add3A_317 = arith.constant 1 : i32
    %add3A_318 = vector.broadcast %add3A_317 : i32 to vector<1x4096xi32>
    %add3A_319 = arith.addi %and3A_7, %add3A_318 : vector<1x4096xi32>
    %ge3A_320 = arith.constant 0 : i32
    %ge3A_321 = vector.broadcast %ge3A_320 : i32 to vector<1x4096xi32>
    %ge3A_322 = arith.cmpi sge, %add3A_319, %ge3A_321 : vector<1x4096xi32>
    %add3A_323 = arith.constant 1 : i32
    %add3A_324 = vector.broadcast %add3A_323 : i32 to vector<1x4096xi32>
    %add3A_325 = arith.addi %and3A_7, %add3A_324 : vector<1x4096xi32>
    %lt3A_326 = arith.constant 64 : i32
    %lt3A_327 = vector.broadcast %lt3A_326 : i32 to vector<1x4096xi32>
    %lt3A_328 = arith.cmpi slt, %add3A_325, %lt3A_327 : vector<1x4096xi32>
    %and3A_329 = arith.andi %ge3A_322, %lt3A_328 : vector<1x4096xi1>
    %and3A_330 = arith.andi %and3A_316, %and3A_329 : vector<1x4096xi1>
    %convert_element_type3A_331 = arith.extui %and3A_330 : vector<1x4096xi1> to vector<1x4096xi32>
    %convert_element_type3A_332 = arith.sitofp %convert_element_type3A_331 : vector<1x4096xi32> to vector<1x4096xf32>
    %convert_element_type3A_333 = arith.truncf %convert_element_type3A_332 : vector<1x4096xf32> to vector<1x4096xbf16>
    %mul3A_334 = vector.broadcast %convert_element_type3A_333 : vector<1x4096xbf16> to vector<96x4096xbf16>
    %mul3A_335 = arith.mulf %concatenate3A_303, %mul3A_334 : vector<96x4096xbf16>
    %swap3A_336 = arith.constant 768 : index
    %swap3A_337 = arith.constant 0 : index
    %swap3A_338 = vector.load %arg11[%swap3A_336, %swap3A_337] : memref<864x4096xbf16, #tpu.memory_space<vmem>>, vector<96x4096xbf16>
    tpu.vector_store %arg11[%swap3A_336, %swap3A_337], %mul3A_335 {strides = array<i32>} : memref<864x4096xbf16, #tpu.memory_space<vmem>>, vector<96x4096xbf16>,
    %get3A_339 = arith.constant 0 : index
    %get3A_340 = arith.constant 0 : index
    %get3A_341 = vector.load %arg6[%get3A_339, %get3A_340] : memref<4x96xf32, #tpu.memory_space<vmem>>, vector<4x96xf32>
    %get3A_342 = arith.constant 0 : index
    %get3A_343 = arith.constant 0 : index
    %get3A_344 = vector.load %arg9[%get3A_342, %get3A_343] : memref<4x96xf32, #tpu.memory_space<vmem>>, vector<4x96xf32>
    %add3A_345 = arith.constant 9.99999974E-6 : f32
    %add3A_346 = vector.broadcast %add3A_345 : f32 to vector<4x96xf32>
    %add3A_347 = arith.addf %get3A_344, %add3A_346 : vector<4x96xf32>
    %rsqrt3A = math.rsqrt %add3A_347 : vector<4x96xf32>
    %mul3A_348 = arith.mulf %get3A_341, %rsqrt3A : vector<4x96xf32>
    %get3A_349 = arith.constant 0 : index
    %get3A_350 = arith.constant 0 : index
    %get3A_351 = vector.load %arg7[%get3A_349, %get3A_350] : memref<4x96xf32, #tpu.memory_space<vmem>>, vector<4x96xf32>
    %get3A_352 = arith.constant 0 : index
    %get3A_353 = arith.constant 0 : index
    %get3A_354 = vector.load %arg8[%get3A_352, %get3A_353] : memref<4x96xf32, #tpu.memory_space<vmem>>, vector<4x96xf32>
    %mul3A_355 = arith.mulf %get3A_354, %mul3A_348 : vector<4x96xf32>
    %sub3A = arith.subf %get3A_351, %mul3A_355 : vector<4x96xf32>
    %iota3A_356 = tpu.iota {dimensions = array<i32: 0>} : vector<4x1xi32>
    %get3A_357 = arith.constant 0 : index
    %get3A_358 = arith.constant 0 : index
    %get3A_359 = vector.load %arg11[%get3A_357, %get3A_358] : memref<864x4096xbf16, #tpu.memory_space<vmem>>, vector<864x4096xbf16>
    %broadcast_in_dim3A = arith.constant 0.000000e+00 : f32
    %broadcast_in_dim3A_360 = vector.broadcast %broadcast_in_dim3A : f32 to vector<96x4096xf32>
    %get3A_361 = arith.constant 0 : index
    %get3A_362 = arith.constant 0 : index
    %get3A_363 = arith.constant 0 : index
    %get3A_364 = arith.constant 0 : index
    %get3A_365 = vector.load %arg4[%get3A_361, %get3A_362, %get3A_363, %get3A_364] : memref<1x1x96x896xf32, #tpu.memory_space<vmem>>, vector<1x1x96x864xf32>
    %get3A_366 = vector.shape_cast %get3A_365 : vector<1x1x96x864xf32> to vector<96x864xf32>
    %convert_element_type3A_367 = arith.truncf %get3A_366 : vector<96x864xf32> to vector<96x864xbf16>
    %dot_general3A = arith.constant dense<0.000000e+00> : vector<96x4096xf32>
    %dot_general3A_368 = tpu.matmul %convert_element_type3A_367, %get3A_359, %dot_general3A {dimension_numbers = #tpu.dot_dimension_numbers<[1], [0], [0], [1], [0, 0, 1, 1], [], []>, transpose_lhs_hint = false} : vector<96x864xbf16>, vector<864x4096xbf16>, vector<96x4096xf32> -> vector<96x4096xf32>
    %get3A_369 = arith.index_cast %arg0 : i32 to index
    %get3A_370 = arith.constant 0 : index
    %get3A_371 = memref.load %arg1[%get3A_369, %get3A_370] : memref<8x2xi32, #tpu.memory_space<smem>>
    %eq3A = vector.broadcast %get3A_371 : i32 to vector<4x1xi32>
    %eq3A_372 = arith.cmpi eq, %iota3A_356, %eq3A : vector<4x1xi32>
    %convert_element_type3A_373 = arith.extui %eq3A_372 : vector<4x1xi1> to vector<4x1xi32>
    %convert_element_type3A_374 = arith.sitofp %convert_element_type3A_373 : vector<4x1xi32> to vector<4x1xf32>
    %dot_general3A_375 = arith.constant dense<0.000000e+00> : vector<96x1xf32>
    %dot_general3A_376 = tpu.matmul %mul3A_348, %convert_element_type3A_374, %dot_general3A_375 {dimension_numbers = #tpu.dot_dimension_numbers<[0], [0], [1], [1], [0, 1, 1, 1], [], []>, transpose_lhs_hint = false} : vector<4x96xf32>, vector<4x1xf32>, vector<96x1xf32> -> vector<96x1xf32>
    %dot_general3A_377 = arith.constant dense<0.000000e+00> : vector<96x1xf32>
    %dot_general3A_378 = tpu.matmul %sub3A, %convert_element_type3A_374, %dot_general3A_377 {dimension_numbers = #tpu.dot_dimension_numbers<[0], [0], [1], [1], [0, 1, 1, 1], [], []>, transpose_lhs_hint = false} : vector<4x96xf32>, vector<4x1xf32>, vector<96x1xf32> -> vector<96x1xf32>
    %mul3A_379 = vector.broadcast %dot_general3A_376 : vector<96x1xf32> to vector<96x4096xf32>
    %mul3A_380 = arith.mulf %dot_general3A_368, %mul3A_379 : vector<96x4096xf32>
    %add3A_381 = vector.broadcast %dot_general3A_378 : vector<96x1xf32> to vector<96x4096xf32>
    %add3A_382 = arith.addf %mul3A_380, %add3A_381 : vector<96x4096xf32>
    %logistic3A = arith.negf %add3A_382 : vector<96x4096xf32>
    %logistic3A_383 = math.exp %logistic3A : vector<96x4096xf32>
    %logistic3A_384 = arith.constant 1.000000e+00 : f32
    %logistic3A_385 = vector.broadcast %logistic3A_384 : f32 to vector<96x4096xf32>
    %logistic3A_386 = arith.addf %logistic3A_385, %logistic3A_383 : vector<96x4096xf32>
    %logistic3A_387 = arith.divf %logistic3A_385, %logistic3A_386 : vector<96x4096xf32>
    %mul3A_388 = arith.mulf %add3A_382, %logistic3A_387 : vector<96x4096xf32>
    %get3A_389 = arith.index_cast %arg0 : i32 to index
    %get3A_390 = arith.constant 0 : index
    %get3A_391 = memref.load %arg2[%get3A_389, %get3A_390] : memref<8x2xf32, #tpu.memory_space<smem>>
    %mul3A_392 = vector.broadcast %get3A_391 : f32 to vector<96x4096xf32>
    %mul3A_393 = arith.mulf %mul3A_392, %mul3A_388 : vector<96x4096xf32>
    %add3A_394 = arith.addf %broadcast_in_dim3A_360, %mul3A_393 : vector<96x4096xf32>
    %get3A_395 = arith.constant 0 : index
    %get3A_396 = arith.constant 0 : index
    %get3A_397 = arith.constant 0 : index
    %get3A_398 = arith.constant 0 : index
    %get3A_399 = vector.load %arg5[%get3A_395, %get3A_396, %get3A_397, %get3A_398] : memref<1x1x96x896xf32, #tpu.memory_space<vmem>>, vector<1x1x96x864xf32>
    %get3A_400 = vector.shape_cast %get3A_399 : vector<1x1x96x864xf32> to vector<96x864xf32>
    %convert_element_type3A_401 = arith.truncf %get3A_400 : vector<96x864xf32> to vector<96x864xbf16>
    %dot_general3A_402 = arith.constant dense<0.000000e+00> : vector<96x4096xf32>
    %dot_general3A_403 = tpu.matmul %convert_element_type3A_401, %get3A_359, %dot_general3A_402 {dimension_numbers = #tpu.dot_dimension_numbers<[1], [0], [0], [1], [0, 0, 1, 1], [], []>, transpose_lhs_hint = false} : vector<96x864xbf16>, vector<864x4096xbf16>, vector<96x4096xf32> -> vector<96x4096xf32>
    %get3A_404 = arith.index_cast %arg0 : i32 to index
    %get3A_405 = arith.constant 1 : index
    %get3A_406 = memref.load %arg1[%get3A_404, %get3A_405] : memref<8x2xi32, #tpu.memory_space<smem>>
    %eq3A_407 = vector.broadcast %get3A_406 : i32 to vector<4x1xi32>
    %eq3A_408 = arith.cmpi eq, %iota3A_356, %eq3A_407 : vector<4x1xi32>
    %convert_element_type3A_409 = arith.extui %eq3A_408 : vector<4x1xi1> to vector<4x1xi32>
    %convert_element_type3A_410 = arith.sitofp %convert_element_type3A_409 : vector<4x1xi32> to vector<4x1xf32>
    %dot_general3A_411 = arith.constant dense<0.000000e+00> : vector<96x1xf32>
    %dot_general3A_412 = tpu.matmul %mul3A_348, %convert_element_type3A_410, %dot_general3A_411 {dimension_numbers = #tpu.dot_dimension_numbers<[0], [0], [1], [1], [0, 1, 1, 1], [], []>, transpose_lhs_hint = false} : vector<4x96xf32>, vector<4x1xf32>, vector<96x1xf32> -> vector<96x1xf32>
    %dot_general3A_413 = arith.constant dense<0.000000e+00> : vector<96x1xf32>
    %dot_general3A_414 = tpu.matmul %sub3A, %convert_element_type3A_410, %dot_general3A_413 {dimension_numbers = #tpu.dot_dimension_numbers<[0], [0], [1], [1], [0, 1, 1, 1], [], []>, transpose_lhs_hint = false} : vector<4x96xf32>, vector<4x1xf32>, vector<96x1xf32> -> vector<96x1xf32>
    %mul3A_415 = vector.broadcast %dot_general3A_412 : vector<96x1xf32> to vector<96x4096xf32>
    %mul3A_416 = arith.mulf %dot_general3A_403, %mul3A_415 : vector<96x4096xf32>
    %add3A_417 = vector.broadcast %dot_general3A_414 : vector<96x1xf32> to vector<96x4096xf32>
    %add3A_418 = arith.addf %mul3A_416, %add3A_417 : vector<96x4096xf32>
    %logistic3A_419 = arith.negf %add3A_418 : vector<96x4096xf32>
    %logistic3A_420 = math.exp %logistic3A_419 : vector<96x4096xf32>
    %logistic3A_421 = arith.constant 1.000000e+00 : f32
    %logistic3A_422 = vector.broadcast %logistic3A_421 : f32 to vector<96x4096xf32>
    %logistic3A_423 = arith.addf %logistic3A_422, %logistic3A_420 : vector<96x4096xf32>
    %logistic3A_424 = arith.divf %logistic3A_422, %logistic3A_423 : vector<96x4096xf32>
    %mul3A_425 = arith.mulf %add3A_418, %logistic3A_424 : vector<96x4096xf32>
    %get3A_426 = arith.index_cast %arg0 : i32 to index
    %get3A_427 = arith.constant 1 : index
    %get3A_428 = memref.load %arg2[%get3A_426, %get3A_427] : memref<8x2xf32, #tpu.memory_space<smem>>
    %mul3A_429 = vector.broadcast %get3A_428 : f32 to vector<96x4096xf32>
    %mul3A_430 = arith.mulf %mul3A_429, %mul3A_425 : vector<96x4096xf32>
    %add3A_431 = arith.addf %add3A_394, %mul3A_430 : vector<96x4096xf32>
    %convert_element_type3A_432 = arith.truncf %add3A_431 : vector<96x4096xf32> to vector<96x4096xbf16>
    %swap3A_433 = arith.constant 0 : index
    %swap3A_434 = arith.constant 0 : index
    %swap3A_435 = arith.constant 0 : index
    %swap3A_436 = vector.load %arg10[%swap3A_433, %swap3A_434, %swap3A_435] : memref<1x96x4096xbf16, #tpu.memory_space<vmem>>, vector<1x96x4096xbf16>
    %swap3A_437 = vector.shape_cast %swap3A_436 : vector<1x96x4096xbf16> to vector<96x4096xbf16>
    %swap3A_438 = vector.shape_cast %convert_element_type3A_432 : vector<96x4096xbf16> to vector<1x96x4096xbf16>
    tpu.vector_store %arg10[%swap3A_433, %swap3A_434, %swap3A_435], %swap3A_438 {strides = array<i32>} : memref<1x96x4096xbf16, #tpu.memory_space<vmem>>, vector<1x96x4096xbf16>,
    return
  }
  func.func @transform_0(%arg0: i32, %arg1: memref<8x2xi32, #tpu.memory_space<smem>>, %arg2: memref<8x2xf32, #tpu.memory_space<smem>>) -> (i32, i32, i32) {
    %c0_i32 = arith.constant 0 : i32
    %c0_i32_0 = arith.constant 0 : i32
    %c0_i32_1 = arith.constant 0 : i32
    return %arg0, %c0_i32, %c0_i32_0 : i32, i32, i32
  }
  func.func @transform_1(%arg0: i32, %arg1: memref<8x2xi32, #tpu.memory_space<smem>>, %arg2: memref<8x2xf32, #tpu.memory_space<smem>>) -> (i32, i32, i32, i32) {
    %c0_i32 = arith.constant 0 : i32
    %c0_i32_0 = arith.constant 0 : i32
    %c0_i32_1 = arith.constant 0 : i32
    %c0_i32_2 = arith.constant 0 : i32
    return %arg0, %c0_i32, %c0_i32_0, %c0_i32_1 : i32, i32, i32, i32
  }
  func.func @transform_2(%arg0: i32, %arg1: memref<8x2xi32, #tpu.memory_space<smem>>, %arg2: memref<8x2xf32, #tpu.memory_space<smem>>) -> (i32, i32, i32, i32) {
    %c1_i32 = arith.constant 1 : i32
    %c0_i32 = arith.constant 0 : i32
    %c0_i32_0 = arith.constant 0 : i32
    %c0_i32_1 = arith.constant 0 : i32
    return %arg0, %c1_i32, %c0_i32, %c0_i32_0 : i32, i32, i32, i32
  }
  func.func @transform_3(%arg0: i32, %arg1: memref<8x2xi32, #tpu.memory_space<smem>>, %arg2: memref<8x2xf32, #tpu.memory_space<smem>>) -> (i32, i32) {
    %c0_i32 = arith.constant 0 : i32
    %c0_i32_0 = arith.constant 0 : i32
    %c0_i32_1 = arith.constant 0 : i32
    return %c0_i32, %c0_i32_0 : i32, i32
  }
  func.func @transform_4(%arg0: i32, %arg1: memref<8x2xi32, #tpu.memory_space<smem>>, %arg2: memref<8x2xf32, #tpu.memory_space<smem>>) -> (i32, i32) {
    %c0_i32 = arith.constant 0 : i32
    %c0_i32_0 = arith.constant 0 : i32
    %c0_i32_1 = arith.constant 0 : i32
    return %c0_i32, %c0_i32_0 : i32, i32
  }
  func.func @transform_5(%arg0: i32, %arg1: memref<8x2xi32, #tpu.memory_space<smem>>, %arg2: memref<8x2xf32, #tpu.memory_space<smem>>) -> (i32, i32) {
    %c0_i32 = arith.constant 0 : i32
    %c0_i32_0 = arith.constant 0 : i32
    %c0_i32_1 = arith.constant 0 : i32
    return %c0_i32, %c0_i32_0 : i32, i32
  }
  func.func @transform_6(%arg0: i32, %arg1: memref<8x2xi32, #tpu.memory_space<smem>>, %arg2: memref<8x2xf32, #tpu.memory_space<smem>>) -> (i32, i32) {
    %c0_i32 = arith.constant 0 : i32
    %c0_i32_0 = arith.constant 0 : i32
    %c0_i32_1 = arith.constant 0 : i32
    return %c0_i32, %c0_i32_0 : i32, i32
  }
  func.func @transform_7(%arg0: i32, %arg1: memref<8x2xi32, #tpu.memory_space<smem>>, %arg2: memref<8x2xf32, #tpu.memory_space<smem>>) -> (i32, i32, i32) {
    %c0_i32 = arith.constant 0 : i32
    %c0_i32_0 = arith.constant 0 : i32
    %c0_i32_1 = arith.constant 0 : i32
    return %arg0, %c0_i32, %c0_i32_0 : i32, i32, i32
  }
}

</mosaic_0001>

<sc_bundles>
// kernel: kernel.4.cloned.1.call-start
scs
__scs_entry_jumppad:
0x0: {  	(pc) =	sbr.rel $0x88, $3  }
0x1: {  	(tag) =	ssettag $0x0;
	lr =	simm.s32 $0x1  }
0x2: {  	[smem:$0x3F99] =	sst lr;
	_ =	strace $0xD0000000  }
0x3: {  	_ = 	snop  }
0x4: {  	_ = 	snop  }
0x5: {  	_ = 	snop  }
0x6: {  	_ = 	snop  }
0x7: {  	_ = 	snop  }
__scs_overlays_trampoline_lowered:
0x8: {  	[smem:$0x3FA8] =	sst s0  }
0x9: {  	[smem:$0x3FA9] =	sst s1  }
0xa: {  	[smem:$0x3FAA] =	sst s2  }
0xb: {  	[smem:$0x3FAB] =	sst s3  }
0xc: {  	[smem:$0x3FAC] =	sst s4  }
0xd: {  	[smem:$0x3FAD] =	sst s5  }
0xe: {  	[smem:$0x3FAE] =	sst s6  }
0xf: {  	[smem:$0x3FAF] =	sst s7  }
0x10: {  	[smem:$0x3FB0] =	sst s8  }
0x11: {  	[smem:$0x3FB1] =	sst s9;
	s0 =	simm.s32 @!p0 $0x0  }
0x12: {  	s1 =	sld [smem:$0x3F97];
	s0 =	simm.s32 @p0 $0x1  }
0x13: {  	[smem:$0x3FB2] =	sst s0;
	s0 =	simm.s32 @!p1 $0x0  }
0x14: {  	s2 =	sld [smem:$0x3F96];
	s0 =	simm.s32 @p1 $0x1  }
0x15: {  	[smem:$0x3FB3] =	sst s0;
	s0 =	simm.s32 @!p2 $0x0  }
0x16: {  	s3 =	sld [smem:$0x3FDB];
	s0 =	simm.s32 @p2 $0x1  }
0x17: {  	s4 =	simm.s32 $0x1BF5;
	[smem:$0x3FB5] =	sst s0  }
0x18: {  	s0 =	sld [smem:$0x3F98];
	_ =	swait.ge [sflag:s4], $0x0  }
0x19: {  	s7 =	sld [smem:$0x3F99]  }
0x1a: {  	s8 =	sadd.s32 $0xFFFFE003, lr  }
0x1b: {  	s9 =	sadd.s32 $0xFFFFFEF7, lr;
	s5 =	simm.s32 $0xFFFFFFFF;
	p2 =	slt.u32 s8, $0xFFFFF086  }
0x1c: {  	p1 =	slt.u32 s9, $0xF7A;
	s5 =	simm.s32 @!p2 $0x0  }
0x1d: {  	s5 =	simm.s32 @p1 $0x1;
	p0 =	seq.s32 s7, s2  }
0x1e: {  	s7 =	smul.u32 @!p0 $0xF7A, s2;
	p2 =	seq.s32 @!p0 s5, $0x0  }
0x1f: {  	s9 =	smul.u32 $0xF7A, s1;
	s8 =	simm.s32 @!p0 $0x1BF5;
	p2 =	por !p2, p0  }
0x20: {  	[sflag:s8] =	ssyncset.s32 @!p0 $0xFFFFF086;
	s6 =	sadd.s32 @!p0 s3, s7;
	s7 =	simm.s32 @!p0 $0x108  }
0x21: {  	s3 =	sadd.s32 s3, s9;
	s6 =	sadd.s32 @!p0 $0x88, s6;
	s7 =	simm.s32 @p2 $0x1082  }
0x22: {  	[simem:s7], [sflag:s8] =	dma.local @!p0 [hbm:s6], $0xF7A  }
0x23: {  	s9 =	sor.u32 $0xD0000000, s2;
	s6 =	simm.s32 $0x108;
	_ =	swait.ge @!p0 [sflag:s8], $0x0  }
0x24: {  	s3 =	sadd.s32 $0x88, s3;
	s6 =	simm.s32 @!p1 $0x1082;
	[sflag:s4] =	ssyncset.s32 $0xFFFFF086  }
0x25: {  	[simem:s6], [sflag:s4] =	dma.local [hbm:s3], $0xF7A  }
0x26: {  	[smem:$0x3F99] =	sst s1;
	(tag) =	ssettag s2;
	_ =	strace s9  }
0x27: {  	s1 =	sld [smem:$0x3FA9]  }
0x28: {  	s2 =	sld [smem:$0x3FAA]  }
0x29: {  	s4 =	sld [smem:$0x3FAC]  }
0x2a: {  	p0 =	seq.s32 s5, $0x0;
	s5 =	sld [smem:$0x3FAD]  }
0x2b: {  	s6 =	sld [smem:$0x3FAE]  }
0x2c: {  	s7 =	sld [smem:$0x3FAF]  }
0x2d: {  	s3 =	simm.s32 $0x108;
	s8 =	sld [smem:$0x3FB0]  }
0x2e: {  	s3 =	simm.s32 @!p0 $0x1082;
	s9 =	sld [smem:$0x3FB1]  }
0x2f: {  	lr =	sadd.s32 s0, s3;
	s0 =	sld [smem:$0x3FA8]  }
0x30: {  	s3 =	sld [smem:$0x3FAB]  }
0x31: {  	[smem:$0x3FB4] =	sst s10  }
0x32: {  	s10 =	sld [smem:$0x3FB2];
	_ =	sdelay $0x3  }
0x33: {  	p0 =	seq.s32 s10, $0x1;
	s10 =	sld [smem:$0x3FB4];
	_ =	sdelay $0x3  }
0x34: {  	[smem:$0x3FB4] =	sst s10  }
0x35: {  	s10 =	sld [smem:$0x3FB3];
	_ =	sdelay $0x3  }
0x36: {  	p1 =	seq.s32 s10, $0x1;
	s10 =	sld [smem:$0x3FB4];
	_ =	sdelay $0x3  }
0x37: {  	[smem:$0x3FB4] =	sst s10  }
0x38: {  	s10 =	sld [smem:$0x3FB5]  }
0x39: {  	_ = 	snop;
	(pc) =	sbr.ind lr, $3  }
0x3a: {  	_ = 	snop  }
0x3b: {  	_ = 	snop  }
0x3c: {  	p2 =	seq.s32 s10, $0x1;
	s10 =	sld [smem:$0x3FB4]  }
0x3d: {  	_ =	shalt  }
0x3e: {  	_ =	shalt  }
0x3f: {  	_ =	shalt  }
0x40: {  	_ =	shalt  }
0x41: {  	_ =	shalt  }
0x42: {  	_ =	shalt  }
0x43: {  	_ =	shalt  }
0x44: {  	_ =	shalt  }
0x45: {  	_ =	shalt  }
0x46: {  	_ =	shalt  }
0x47: {  	_ =	shalt  }
0x48: {  	_ =	shalt  }
0x49: {  	_ =	shalt  }
0x4a: {  	_ =	shalt  }
0x4b: {  	_ =	shalt  }
0x4c: {  	_ =	shalt  }
0x4d: {  	_ =	shalt  }
0x4e: {  	_ =	shalt  }
0x4f: {  	_ =	shalt  }
0x50: {  	_ =	shalt  }
0x51: {  	_ =	shalt  }
0x52: {  	_ =	shalt  }
0x53: {  	_ =	shalt  }
0x54: {  	_ =	shalt  }
0x55: {  	_ =	shalt  }
0x56: {  	_ =	shalt  }
0x57: {  	_ =	shalt  }
0x58: {  	_ =	shalt  }
0x59: {  	_ =	shalt  }
0x5a: {  	_ =	shalt  }
0x5b: {  	_ =	shalt  }
0x5c: {  	_ =	shalt  }
0x5d: {  	_ =	shalt  }
0x5e: {  	_ =	shalt  }
0x5f: {  	_ =	shalt  }
0x60: {  	_ =	shalt  }
0x61: {  	_ =	shalt  }
0x62: {  	_ =	shalt  }
0x63: {  	_ =	shalt  }
0x64: {  	_ =	shalt  }
0x65: {  	_ =	shalt  }
0x66: {  	_ =	shalt  }
0x67: {  	_ =	shalt  }
0x68: {  	_ =	shalt  }
0x69: {  	_ =	shalt  }
0x6a: {  	_ =	shalt  }
0x6b: {  	_ =	shalt  }
0x6c: {  	_ =	shalt  }
0x6d: {  	_ =	shalt  }
0x6e: {  	_ =	shalt  }
0x6f: {  	_ =	shalt  }
0x70: {  	_ =	shalt  }
0x71: {  	_ =	shalt  }
0x72: {  	_ =	shalt  }
0x73: {  	_ =	shalt  }
0x74: {  	_ =	shalt  }
0x75: {  	_ =	shalt  }
0x76: {  	_ =	shalt  }
0x77: {  	_ =	shalt  }
0x78: {  	_ =	shalt  }
0x79: {  	_ =	shalt  }
0x7a: {  	_ =	shalt  }
0x7b: {  	_ =	shalt  }
0x7c: {  	_ =	shalt  }
0x7d: {  	_ =	shalt  }
0x7e: {  	_ =	shalt  }
0x7f: {  	_ =	shalt  }
0x80: {  	_ =	shalt  }
0x81: {  	_ =	shalt  }
0x82: {  	_ =	shalt  }
0x83: {  	_ =	shalt  }
0x84: {  	_ =	shalt  }
0x85: {  	_ =	shalt  }
0x86: {  	_ =	shalt  }
0x87: {  	_ =	shalt  }
.Lfunc_end0:
.L_simem_size_0:
called_computation_lowered:
.L_overlay_start_0:
0x88: {  	s2 =	sld [smem:$0x3FD9]  }
0x89: {  	s3 =	sld [smem:$0x3FFE];
	_ =	sdelay $0x1  }
0x8a: {  	s1 =	srdreg.scid  }
0x8b: {  	s0 =	sand.u32 $0x1, s1  }
0x8c: {  	s17 =	sshll.u32 s0, $0xA;
	s2 =	sadd.s32 s3, s2  }
0x8d: {  	s2 =	sadd.s32 s2, s17  }
0x8e: {  	[smem:$0x3FC0] =	sst s2  }
0x8f: {  	_ = 	snop  }
0x90: {  	s2 =	sld [smem:$0x3FD0];
	(tm) =	ssettm $0x1  }
0x91: {  	s18 =	sld [smem:$0x3FFB];
	_ =	sdelay $0x3  }
0x92: {  	_ =	strace s18  }
0x93: {  	s3 =	sld [smem:$0x3FFC];
	_ =	sdelay $0x3  }
0x94: {  	_ =	strace s3  }
0x95: {  	s3 =	sld [smem:$0x3FFD];
	_ =	sdelay $0x3  }
0x96: {  	_ =	strace s3  }
0x97: {  	_ =	strace $0x8FFFFFFF  }
0x98: {  	s19 =	sld [smem:$0x3FDB];
	_ =	sdelay $0x1  }
0x99: {  	s4 =	simm.s32 $_scs_section_size  }
0x9a: {  	s5 =	simm.s32 $_size__tile_overlayer_lowered;
	s6 =	simm.s32 $_tile_overlayer_lowered  }
0x9b: {  	s22 =	simm.s32 $0x1BFF;
	s21 =	sshll.u32 s6, $0x1;
	s3 =	sadd.s32 s4, s19  }
0x9c: {  	s7 =	simm.s32 $0x0;
	s20 =	sshll.u32 s5, $0x1;
	s5 =	sadd.s32 s21, s3  }
0x9d: {  	[timem:s7], [sflag:s22] =	dma.local [hbm:s5], s20  }
0x9e: {  	_ =	swait.ge [sflag:s22], s20  }
0x9f: {  	s4 =	ssub.s32 $0x0, s20;
	[sflag:s22] =	ssyncset.done $0x0  }
0xa0: {  	[sflag:s22] =	ssyncadd.s32 s4;
	_ =	sdelay $0x1  }
0xa1: {  	s23 =	simm.s32 $0x1B8B  }
0xa2: {  	_ =	swait.ge [sflag:s23], $0x1  }
0xa3: {  	[sflag:s23] =	ssyncset.done $0x0  }
0xa4: {  	s25 =	simm.s32 $0x1B8E;
	s24 =	sld [smem:$0x3FFE];
	[sflag:s23] =	ssyncadd.s32 $0xFFFFFFFF  }
0xa5: {  	s26 =	simm.s32 $execute0_lowered;
	[smem:$0x3FD2] =	sst s25  }
0xa6: {  	s5 =	sshll.u32 s26, $0x1;
	_ =	strace $0x80000046;
	[dreg:$0x1] =	wrdreg $0xFFFFFFFF  }
0xa7: {  	s28 =	simm.s32 $_size_execute0_lowered;
	s3 =	sadd.s32 s3, s5;
	[dreg:$0x0] =	wrdreg $0x0  }
0xa8: {  	s5 =	sshll.u32 s28, $0x1;
	[dreg:$0x2] =	wrdreg s3  }
0xa9: {  	[dreg:$0x3] =	wrdreg s5  }
0xaa: {  	[dreg:$0x4] =	wrdreg $0xC0  }
0xab: {  	_ =	task [dreg:s7], $0x5FFFF  }
0xac: {  	[dreg:$0x1] =	wrdreg $0xFFFFFFFF  }
0xad: {  	[dreg:$0x0] =	wrdreg $0x60  }
0xae: {  	[dreg:$0x2] =	wrdreg s24  }
0xaf: {  	[dreg:$0x3] =	wrdreg s2  }
0xb0: {  	[dreg:$0x4] =	wrdreg $0x9  }
0xb1: {  	_ =	task.clear_ibuf [dreg:s7], $0x5FFFF;
	_ =	strace $0x90000046  }
0xb2: {  	s29 =	simm.s32 $0x9;
	_ =	strace $0x80000048  }
0xb3: {  	_ =	swait.ge [sflag:s29], $0x1  }
0xb4: {  	[sflag:s29] =	ssyncadd.s32 $0xFFFFFFFF  }
0xb5: {  	_ =	strace $0x90000048  }
0xb6: {  	_ =	sfence  }
0xb7: {  	s30 =	sld [smem:$0x0];
	_ =	sdelay $0x2  }
0xb8: {  	s31 =	sshll.u32 s1, $0xD;
	s1 =	sshrl.u32 s1, $0x2  }
0xb9: {  	s3 =	sand.u32 $0x4000, s31;
	s1 =	sadd.s32 s1, s30  }
0xba: {  	s0 =	sor.u32 s3, s0;
	s1 =	sshll.u32 s1, $0x11  }
0xbb: {  	s0 =	sor.u32 s1, s0  }
0xbc: {  	s0 =	sadd.s32 $0x8F2B, s0  }
0xbd: {  	[sflag:s0] =	ssyncadd.remote.s32 $0x1  }
0xbe: {  	_ =	sfence.sel $0xFFFF  }
0xbf: {  	[dreg:$0x0] =	wrdreg $0xFFFFFFFF;
	(pc) =	sbr.abs _section_cstart, $3  }
0xc0: {  	[dreg:$0x1] =	wrdreg $0xFFFFFFFF  }
0xc1: {  	_ =	task.clear_ibuf [dreg:s7], $0x2FFFF;
	_ =	strace $0x9FFFFFFF  }
0xc2: {  	(tm) =	ssettm $0x7FFFFFFF  }
0xc3: {  	_ =	shalt  }
tec
execute0_lowered:
.L_overlay_start_1:
0x0: {  	(tag) =	ssettag $0x1  }
0x1: {  	s1 =	rddreg [dreg:$0x0];
	s2 =	srdreg.scid  }
0x2: {  	s0 =	stileid.u32;
	s7 =	rddreg [dreg:$0x1]  }
0x3: {  	s25 =	simm.s32 $0x880;
	s26 =	simm.s32 $0x1080;
	s11 =	simm.s32 $0x1C80  }
0x4: {  	s12 =	simm.s32 $0x2480;
	s13 =	simm.s32 $0x2C80;
	s14 =	simm.s32 $0x3480  }
0x5: {  	s15 =	simm.s32 $0x3880;
	s16 =	simm.s32 $0x4080;
	s17 =	simm.s32 $0x4880  }
0x6: {  	s18 =	simm.s32 $0x5080;
	s19 =	simm.s32 $0x5480;
	s20 =	simm.s32 $0x5C80  }
0x7: {  	s21 =	simm.s32 $0x6480;
	s22 =	simm.s32 $0x6C80;
	s23 =	simm.s32 $0x7080  }
0x8: {  	s28 =	simm.s32 $0x8C80;
	s29 =	simm.s32 $0x9480;
	s30 =	simm.s32 $0x9C80  }
0x9: {  	s4 =	sand.u32 $0x1, s2;
	s3 =	sshll.u32 s0, $0x1;
	s2 =	simm.s32 $0x0  }
0xa: {  	s31 =	simm.s32 $0xA480;
	s5 =	sor.u32 s4, s3;
	[smem:$0x7FF] =	sst s2  }
0xb: {  	s3 =	sadd.s32 $0x2400, s1;
	s4 =	ssub.s32 $0x2, s4;
	s6 =	smul.u32 $0x6, s5  }
0xc: {  	_ =	strace $0x80000047;
	s8 =	sshrl.u32 s4, $0x1;
	[dreg:$0x5] =	wrdreg s25  }
0xd: {  	s9 =	smul.u32 $0x1500, s5;
	s5 =	sadd.s32 $0x2600, s1;
	[dreg:$0x6] =	wrdreg s26  }
0xe: {  	s25 =	simm.s32 $0x8080;
	s26 =	simm.s32 $0x8880;
	s8 =	ssub.s32 s4, s8  }
0xf: {  	s4 =	sadd.s32 $0x2500, s1;
	s6 =	sadd.s32 s6, s1;
	s24 =	sadd.s32 s7, s9  }
0x10: {  	v2 =	vlaneseq.u32;
	s7 =	smax.u32 s8, $0x1;
	s8 =	simm.s32 $0x2;
	s9 =	simm.s32 $0x80  }
0x11: {  	vm0 =	vmmov $0xffff;
	vm1 =	vmmov $0xff;
	v1 =	vshrl.u32 v2, $0x3;
	s6 =	sadd.s32 $0x2200, s6;
	[dreg:$0x4] =	wrdreg s24;
	s24 =	simm.s32 $0x7880  }
0x12: {  	v0 =	vand.u32 $0x7, v2;
	v2 =	vor.u32 $0x8, v2;
	v1 =	vmul.u32 $0x8, v1;
	[dreg:$0x3] =	wrdreg s6;
	s6 =	sadd.s32 $0x2700, s1;
	s1 =	simm.s32 $0x1  }
.LBB2_1:
0x13: {  	s0 =	rddreg [dreg:$0x3]  }
0x14: {  	[tilespmem:s2], [sflag:$0x2] =	stream.linear.gather [hbm4b:s0+s2], $0x30, $0x38;
	[tilespmem:$0xA880] =	vst v63  }
0x15: {  	_ =	swait.ge [sflag:s8], $0x30  }
0x16: {  	[sflag:s8] =	ssyncset.done $0x0  }
0x17: {  	[sflag:s8] =	ssyncadd.s32 $0xFFFFFFD0  }
0x18: {  	v3 =	vld [tilespmem:$0x0];
	_ =	sdelay $0x4  }
0x19: {  	v4 =	vshrl.u32 v3, $0x3  }
0x1a: {  	v4 =	vmul.u32 $0x38, v4  }
0x1b: {  	v3 =	vand.u32 $0x7, v3  }
0x1c: {  	v3 =	vor.u32 v3, v4  }
0x1d: {  	v4 =	vperm.xlane v3, v0;
	_ =	sdelay $0x1  }
0x1e: {  	v4 =	vadd.s32 v1, v4;
	_ =	sdelay $0x4  }
0x1f: {  	[tilespmem:s9], [sflag:$0x1] =	stream.indirect_vreg.gather [hbm4b:s3+s2], $0x80, v4, vm0, $0xb8;
	[tilespmem:$0xA880] =	vst v63  }
0x20: {  	s0 =	rddreg [dreg:$0x5];
	v3 =	vperm.xlane v3, v2  }
0x21: {  	[tilespmem:s0], [sflag:$0x1] =	stream.indirect_vreg.gather [hbm4b:s4+s2], $0x80, v4, vm0, $0xb8;
	[tilespmem:$0xA880] =	vst v63  }
0x22: {  	s10 =	rddreg [dreg:$0x6];
	v3 =	vadd.s32 v1, v3  }
0x23: {  	[tilespmem:s10], [sflag:$0x1] =	stream.indirect_vreg.gather [hbm4b:s5+s2], $0x80, v4, vm0, $0xb8;
	[tilespmem:$0xA880] =	vst v63  }
0x24: {  	s10 =	simm.s32 $0x1880  }
0x25: {  	[tilespmem:s10], [sflag:$0x1] =	stream.indirect_vreg.gather [hbm4b:s6+s2], $0x80, v4, vm1, $0xb8;
	[tilespmem:$0xA880] =	vst v63  }
0x26: {  	_ = 	snop  }
0x27: {  	[tilespmem:s11], [sflag:$0x1] =	stream.indirect_vreg.gather [hbm4b:s3+s2], $0x80, v3, vm0, $0xb8;
	[tilespmem:$0xA880] =	vst v63  }
0x28: {  	_ = 	snop  }
0x29: {  	[tilespmem:s12], [sflag:$0x1] =	stream.indirect_vreg.gather [hbm4b:s4+s2], $0x80, v3, vm0, $0xb8;
	[tilespmem:$0xA880] =	vst v63  }
0x2a: {  	_ = 	snop  }
0x2b: {  	[tilespmem:s13], [sflag:$0x1] =	stream.indirect_vreg.gather [hbm4b:s5+s2], $0x80, v3, vm0, $0xb8;
	[tilespmem:$0xA880] =	vst v63  }
0x2c: {  	_ = 	snop  }
0x2d: {  	[tilespmem:s14], [sflag:$0x1] =	stream.indirect_vreg.gather [hbm4b:s6+s2], $0x80, v3, vm1, $0xb8;
	[tilespmem:$0xA880] =	vst v63  }
0x2e: {  	v3 =	vld [tilespmem:$0x10];
	_ =	sdelay $0x4  }
0x2f: {  	v62 =	vshrl.u32 v3, $0x3  }
0x30: {  	v4 =	vmul.u32 $0x38, v62  }
0x31: {  	v3 =	vand.u32 $0x7, v3  }
0x32: {  	v3 =	vor.u32 v3, v4  }
0x33: {  	v4 =	vperm.xlane v3, v0;
	_ =	sdelay $0x1  }
0x34: {  	v4 =	vadd.s32 v1, v4;
	_ =	sdelay $0x4  }
0x35: {  	[tilespmem:s15], [sflag:$0x1] =	stream.indirect_vreg.gather [hbm4b:s3+s2], $0x80, v4, vm0, $0xb8;
	[tilespmem:$0xA880] =	vst v63  }
0x36: {  	v3 =	vperm.xlane v3, v2  }
0x37: {  	[tilespmem:s16], [sflag:$0x1] =	stream.indirect_vreg.gather [hbm4b:s4+s2], $0x80, v4, vm0, $0xb8;
	[tilespmem:$0xA880] =	vst v63  }
0x38: {  	v3 =	vadd.s32 v1, v3  }
0x39: {  	[tilespmem:s17], [sflag:$0x1] =	stream.indirect_vreg.gather [hbm4b:s5+s2], $0x80, v4, vm0, $0xb8;
	[tilespmem:$0xA880] =	vst v63  }
0x3a: {  	_ = 	snop  }
0x3b: {  	[tilespmem:s18], [sflag:$0x1] =	stream.indirect_vreg.gather [hbm4b:s6+s2], $0x80, v4, vm1, $0xb8;
	[tilespmem:$0xA880] =	vst v63  }
0x3c: {  	_ = 	snop  }
0x3d: {  	[tilespmem:s19], [sflag:$0x1] =	stream.indirect_vreg.gather [hbm4b:s3+s2], $0x80, v3, vm0, $0xb8;
	[tilespmem:$0xA880] =	vst v63  }
0x3e: {  	_ = 	snop  }
0x3f: {  	[tilespmem:s20], [sflag:$0x1] =	stream.indirect_vreg.gather [hbm4b:s4+s2], $0x80, v3, vm0, $0xb8;
	[tilespmem:$0xA880] =	vst v63  }
0x40: {  	_ = 	snop  }
0x41: {  	[tilespmem:s21], [sflag:$0x1] =	stream.indirect_vreg.gather [hbm4b:s5+s2], $0x80, v3, vm0, $0xb8;
	[tilespmem:$0xA880] =	vst v63  }
0x42: {  	_ = 	snop  }
0x43: {  	[tilespmem:s22], [sflag:$0x1] =	stream.indirect_vreg.gather [hbm4b:s6+s2], $0x80, v3, vm1, $0xb8;
	[tilespmem:$0xA880] =	vst v63  }
0x44: {  	v3 =	vld [tilespmem:$0x20];
	_ =	sdelay $0x4  }
0x45: {  	v63 =	vshrl.u32 v3, $0x3  }
0x46: {  	v4 =	vmul.u32 $0x38, v63  }
0x47: {  	v3 =	vand.u32 $0x7, v3  }
0x48: {  	v3 =	vor.u32 v3, v4  }
0x49: {  	v4 =	vperm.xlane v3, v0;
	_ =	sdelay $0x1  }
0x4a: {  	v4 =	vadd.s32 v1, v4;
	_ =	sdelay $0x4  }
0x4b: {  	[tilespmem:s23], [sflag:$0x1] =	stream.indirect_vreg.gather [hbm4b:s3+s2], $0x80, v4, vm0, $0xb8;
	[tilespmem:$0xA880] =	vst v63  }
0x4c: {  	v3 =	vperm.xlane v3, v2  }
0x4d: {  	[tilespmem:s24], [sflag:$0x1] =	stream.indirect_vreg.gather [hbm4b:s4+s2], $0x80, v4, vm0, $0xb8;
	[tilespmem:$0xA880] =	vst v63  }
0x4e: {  	v3 =	vadd.s32 v1, v3  }
0x4f: {  	[tilespmem:s25], [sflag:$0x1] =	stream.indirect_vreg.gather [hbm4b:s5+s2], $0x80, v4, vm0, $0xb8;
	[tilespmem:$0xA880] =	vst v63  }
0x50: {  	_ = 	snop  }
0x51: {  	[tilespmem:s26], [sflag:$0x1] =	stream.indirect_vreg.gather [hbm4b:s6+s2], $0x80, v4, vm1, $0xb8;
	[tilespmem:$0xA880] =	vst v63  }
0x52: {  	_ = 	snop  }
0x53: {  	[tilespmem:s28], [sflag:$0x1] =	stream.indirect_vreg.gather [hbm4b:s3+s2], $0x80, v3, vm0, $0xb8;
	[tilespmem:$0xA880] =	vst v63  }
0x54: {  	_ = 	snop  }
0x55: {  	[tilespmem:s29], [sflag:$0x1] =	stream.indirect_vreg.gather [hbm4b:s4+s2], $0x80, v3, vm0, $0xb8;
	[tilespmem:$0xA880] =	vst v63  }
0x56: {  	_ = 	snop  }
0x57: {  	[tilespmem:s30], [sflag:$0x1] =	stream.indirect_vreg.gather [hbm4b:s5+s2], $0x80, v3, vm0, $0xb8;
	[tilespmem:$0xA880] =	vst v63  }
0x58: {  	_ = 	snop  }
0x59: {  	[tilespmem:s31], [sflag:$0x1] =	stream.indirect_vreg.gather [hbm4b:s6+s2], $0x80, v3, vm1, $0xb8;
	[tilespmem:$0xA880] =	vst v63  }
0x5a: {  	_ =	swait.ge [sflag:s1], $0xA800  }
0x5b: {  	p0 =	sne.s32 s7, $0x1;
	[sflag:s1] =	ssyncset.done $0x0  }
.Ltmp0:
0x5c: {  	s10 =	rddreg [dreg:$0x4];
	[sflag:s1] =	ssyncadd.s32 $0xFFFF5800;
	(pc) =	sbr.rel @p0 .LBB2_1-.Ltmp0, $4  }
0x5d: {  	[hbm4b:s10+s2] =	stream.linear.scatter [tilespmem:s9], [sflag:$0x2], $0xA800, $0x38;
	[tilespmem:$0xA880] =	vst v63  }
0x5e: {  	_ =	swait.ge [sflag:s8], $0xA800  }
0x5f: {  	[sflag:s8] =	ssyncset.done $0x0  }
0x60: {  	s7 =	sadd.s32 $0xFFFFFFFF, s7;
	[sflag:s8] =	ssyncadd.s32 $0xFFFF5800  }
0x61: {  	_ =	sfence.sel $0x180000  }
0x62: {  	[bflag:$0x0] =	sbarrier.arrive $0xFFFF  }
0x63: {  	_ =	strace $0x90000047  }
0x64: {  	s0 =	stileid.u32;
	[bflag:$0x2] =	sbarrier.arrive $0xFFFF  }
0x65: {  	p0 =	sne.s32 s0, $0x0;
	s0 =	rddreg [dreg:$0x2]  }
0x66: {  	s0 =	sadd.s32 @!p0 $0x100000, s0  }
0x67: {  	[sflag:s0] =	ssyncadd.tile.s32 @!p0 $0x1;
	_ =	shalt  }
.Lfunc_end2:
_tile_overlayer_lowered:
.L_overlay_start_2:
0x68: {  	(tag) =	ssettag $0x2  }
0x69: {  	s0 =	rddreg [dreg:$0x0];
	s2 =	stileid.u32  }
0x6a: {  	s1 =	rddreg [dreg:$0x1];
	p0 =	sne.s32 s2, $0x0  }
0x6b: {  	s3 =	rddreg [dreg:$0x2];
	[bflag:$0x3] =	sbarrier.arrive $0xFFFF;
	s2 =	simm.s32 @!p0 $0x1C02  }
0x6c: {  	[timem:s3], [sflag:s2] =	dma.local @!p0 [hbm:s0], s1  }
0x6d: {  	s0 =	simm.s32 @!p0 $0x2  }
0x6e: {  	_ =	swait.ge @!p0 [sflag:s0], s1  }
0x6f: {  	s1 =	ssub.s32 @!p0 $0x0, s1;
	[sflag:s0] =	ssyncset.done @!p0 $0x0  }
0x70: {  	[sflag:s0] =	ssyncadd.s32 @!p0 s1  }
0x71: {  	[bflag:$0x3] =	sbarrier.arrive $0xFFFF  }
0x72: {  	_ =	shalt  }

</sc_bundles>
